<compile_context>
chip_gen: v7x
topology: tpu7x:2x2x1
jax: 0.10.2.dev20260603
libtpu: 0.0.44.dev20260713+nightly
codegen_flags: <defaults>
</compile_context>

<pallas_src>
import functools

import jax
import jax.numpy as jnp
from jax import lax
from jax.experimental import pallas as pl
from jax.experimental.pallas import tpu as pltpu
from jax.experimental.pallas import tpu_sc as plsc

N_NODES = 10000
N_PAD = 10240
N_EDGES = 320000
D = 128
NW = 32
E_PER_W = N_EDGES // NW
B = 80
NB = E_PER_W // B
IC = 25
ROWS_PER_TILE = N_PAD // 16

EB = 12800
NEB = N_EDGES // EB
NQ = 80

_mesh = plsc.VectorSubcoreMesh(core_axis_name="c", subcore_axis_name="s")


@functools.partial(
    pl.kernel,
    mesh=_mesh,
    out_type=jax.ShapeDtypeStruct((2, N_PAD, D), jnp.float32),
    scratch_types=[
        pltpu.VMEM((IC, B), jnp.int32),
        pltpu.VMEM((IC, B), jnp.int32),
        pltpu.VMEM((B, D), jnp.float32),
        pltpu.VMEM((B, D), jnp.float32),
        pltpu.VMEM((B, D), jnp.float32),
        pltpu.VMEM_SHARED((N_PAD, D), jnp.float32),
        pltpu.SemaphoreType.DMA,
        pltpu.SemaphoreType.DMA,
        pltpu.SemaphoreType.DMA,
    ],
)
def _agg_kernel(hs_hbm, ei_hbm, zeros_hbm, out_hbm,
                src_v, dst_v, rows0, rows1, rows2, acc, sem0, sem1, sem2):
    cid = lax.axis_index("c")
    sid = lax.axis_index("s")
    wid = cid * 16 + sid
    pltpu.sync_copy(zeros_hbm, acc.at[pl.ds(sid * ROWS_PER_TILE, ROWS_PER_TILE)])
    plsc.subcore_barrier()

    rows = (rows0, rows1, rows2)
    sems = (sem0, sem1, sem2)

    def chunk(ch, carry):
        pltpu.sync_copy(ei_hbm.at[0, wid, ch], src_v)
        pltpu.sync_copy(ei_hbm.at[1, wid, ch], dst_v)
        pltpu.async_copy(hs_hbm.at[src_v.at[0]], rows0, sem0)
        pltpu.async_copy(hs_hbm.at[src_v.at[1]], rows1, sem1)

        def body(j, c2):
            for k in range(3):
                b = 3 * j + k
                kn = (k + 2) % 3
                pltpu.async_copy(hs_hbm.at[src_v.at[b + 2]], rows[kn], sems[kn])
                pltpu.make_async_copy(
                    hs_hbm.at[src_v.at[b]], rows[k], sems[k]).wait()
                pltpu.sync_copy(rows[k], acc.at[dst_v.at[b]], add=True)
            return c2

        lax.fori_loop(0, (IC - 2) // 3, body, 0)
        for b in range(3 * ((IC - 2) // 3), IC):
            k = b % 3
            if b + 2 < IC:
                kn = (b + 2) % 3
                pltpu.async_copy(hs_hbm.at[src_v.at[b + 2]], rows[kn], sems[kn])
            pltpu.make_async_copy(
                hs_hbm.at[src_v.at[b]], rows[k], sems[k]).wait()
            pltpu.sync_copy(rows[k], acc.at[dst_v.at[b]], add=True)
        return carry

    lax.fori_loop(0, NB // IC, chunk, 0)
    plsc.subcore_barrier()
    pltpu.sync_copy(
        acc.at[pl.ds(sid * ROWS_PER_TILE, ROWS_PER_TILE)],
        out_hbm.at[cid, pl.ds(sid * ROWS_PER_TILE, ROWS_PER_TILE)],
    )


def _deg_body(dst_ref, c_ref):
    i = pl.program_id(0)

    @pl.when(i == 0)
    def _():
        c_ref[...] = jnp.zeros_like(c_ref)

    d = dst_ref[0, 0]
    q = lax.shift_right_logical(d, 7)
    r = lax.bitwise_and(d, 127)
    kq = lax.broadcasted_iota(jnp.int32, (NQ, EB), 0)
    k = lax.broadcasted_iota(jnp.int32, (128, EB), 0)
    m2t = (q == kq).astype(jnp.bfloat16)
    m1t = (r == k).astype(jnp.bfloat16)
    c_ref[...] += lax.dot_general(
        m2t, m1t, (((1,), (1,)), ((), ())),
        preferred_element_type=jnp.float32)


def _deg_tc(dst3):
    return pl.pallas_call(
        _deg_body,
        grid=(NEB,),
        in_specs=[pl.BlockSpec((1, 1, 1, EB), lambda i: (1, i, 0, 0))],
        out_specs=pl.BlockSpec((NQ, 128), lambda i: (0, 0)),
        out_shape=jax.ShapeDtypeStruct((NQ, 128), jnp.float32),
    )(dst3)


def _pick_s(cnt_ref, blk, i):
    n = lax.broadcasted_iota(jnp.int32, (blk, 1), 0) + i * blk
    q = lax.shift_right_logical(n, 7)
    r = lax.bitwise_and(n, 127)
    lane = lax.broadcasted_iota(jnp.int32, (blk, 128), 1)
    laneq = lax.broadcasted_iota(jnp.int32, (blk, NQ), 1)
    eq = (q == laneq).astype(jnp.bfloat16)
    picked = lax.dot_general(
        eq, cnt_ref[...].astype(jnp.bfloat16), (((1,), (0,)), ((), ())),
        preferred_element_type=jnp.float32)
    cnt = jnp.sum(jnp.where(r == lane, picked, 0.0), axis=1, keepdims=True)
    return lax.rsqrt(cnt + 1.0)


def _lin_body(x_ref, w_ref, cnt_ref, hs_ref, s_ref):
    blk = x_ref.shape[0]
    s2 = _pick_s(cnt_ref, blk, pl.program_id(0))
    h = jnp.dot(x_ref[...], w_ref[...], preferred_element_type=jnp.float32)
    hs_ref[...] = h * s2
    s_ref[...] = s2


def _lin_tc(x, W, degc):
    blk = 1000
    return pl.pallas_call(
        _lin_body,
        grid=(N_NODES // blk,),
        in_specs=[
            pl.BlockSpec((blk, D), lambda i: (i, 0)),
            pl.BlockSpec((D, D), lambda i: (0, 0)),
            pl.BlockSpec((NQ, 128), lambda i: (0, 0)),
        ],
        out_specs=[
            pl.BlockSpec((blk, D), lambda i: (i, 0)),
            pl.BlockSpec((blk, 1), lambda i: (i, 0)),
        ],
        out_shape=[
            jax.ShapeDtypeStruct((N_NODES, D), jnp.float32),
            jax.ShapeDtypeStruct((N_NODES, 1), jnp.float32),
        ],
    )(x, W, degc)


def _fin_body(p_ref, hs_ref, s_ref, b_ref, out_ref):
    tot = p_ref[0] + p_ref[1] + hs_ref[...]
    out_ref[...] = jnp.maximum(s_ref[...] * tot + b_ref[...], 0.0)


def _fin_tc(parts, hs, s2d, b2):
    blk = 1000
    return pl.pallas_call(
        _fin_body,
        grid=(N_NODES // blk,),
        in_specs=[
            pl.BlockSpec((2, blk, D), lambda i: (0, i, 0)),
            pl.BlockSpec((blk, D), lambda i: (i, 0)),
            pl.BlockSpec((blk, 1), lambda i: (i, 0)),
            pl.BlockSpec((1, D), lambda i: (0, 0)),
        ],
        out_specs=pl.BlockSpec((blk, D), lambda i: (i, 0)),
        out_shape=jax.ShapeDtypeStruct((N_NODES, D), jnp.float32),
    )(parts, hs, s2d, b2)


def kernel(x, edge_index, W, b):
    ei = edge_index.astype(jnp.int32)
    ei5 = ei.reshape(2, NW, NB // IC, IC, B)
    eid = ei.reshape(2, NEB, 1, EB)
    zeros_row = jnp.zeros((ROWS_PER_TILE, D), jnp.float32)

    degc = _deg_tc(eid)
    hs, s2d = _lin_tc(x, W, degc)
    parts = _agg_kernel(hs, ei5, zeros_row)
    return _fin_tc(parts, hs, s2d, b[None, :])

# --- scband reference (transcript-rebuilt; emitter-appended) ---
"""Pipeline reference for scband-semi-gcnconv-18159121728107 (READ-ONLY COPY).

The authoritative reference and input builder live on the scoring server;
editing this copy changes nothing except your own understanding.
"""

import jax, jax.numpy as jnp
import numpy as np

N_NODES = 10000
N_EDGES = 320000
D_IN = 128
D_OUT = 128

def setup_inputs(seed: int = 0) -> dict:
    key = jax.random.key(seed)
    k1, k2, k3, k4 = jax.random.split(key, 4)
    x = jax.random.normal(k1, (N_NODES, D_IN), dtype=jnp.float32)
    edge_index = jax.random.randint(k2, (2, N_EDGES), 0, N_NODES, dtype=jnp.int64)
    # GCNConv linear weight (glorot) and bias (zeros init in PyG, use small random here)
    std = float(np.sqrt(2.0 / (D_IN + D_OUT)))
    W = jax.random.normal(k3, (D_IN, D_OUT), dtype=jnp.float32) * std
    b = jnp.zeros((D_OUT,), dtype=jnp.float32)
    return {"x": x, "edge_index": edge_index, "W": W, "b": b}

def reference(x, edge_index, W, b):
    # Faithful GCNConv (PyG semantics): lin -> add self loops -> sym norm -> scatter-add -> + bias, then ReLU
    N = x.shape[0]
    src = edge_index[0]
    dst = edge_index[1]
    loop = jnp.arange(N, dtype=edge_index.dtype)
    src = jnp.concatenate([src, loop])
    dst = jnp.concatenate([dst, loop])
    h = x @ W
    deg = jnp.zeros((N,), dtype=h.dtype).at[dst].add(1.0)
    deg_inv_sqrt = jnp.where(deg > 0, deg ** -0.5, 0.0)
    norm = deg_inv_sqrt[src] * deg_inv_sqrt[dst]
    msg = h[src] * norm[:, None]
    out = jnp.zeros_like(h).at[dst].add(msg)
    out = out + b
    return jax.nn.relu(out)

if __name__ == "__main__":
    import jax
    _d = setup_inputs()
    print(jax.jit(kernel)(*tuple(_d.values())))

</pallas_src>

<mosaic_0001>
#map = affine_map<(d0, d1) -> (0, 0)>
#map1 = affine_map<(d0, d1) -> (0, 0, 0, 0, 0)>
#map2 = affine_map<(d0, d1) -> (0, 0, 0)>
module attributes {stable_mosaic.version = 14 : i64} {
  func.func @_agg_kernel(%arg0: i32, %arg1: i32, %arg2: memref<10000x128xf32, #tpu.memory_space<hbm>>, %arg3: memref<2x32x5x25x80xi32, #tpu.memory_space<hbm>>, %arg4: memref<640x128xf32, #tpu.memory_space<hbm>>, %arg5: memref<2x10240x128xf32, #tpu.memory_space<hbm>>, %arg6: memref<25x80xi32, #tpu.memory_space<vmem>>, %arg7: memref<25x80xi32, #tpu.memory_space<vmem>>, %arg8: memref<80x128xf32, #tpu.memory_space<vmem>>, %arg9: memref<80x128xf32, #tpu.memory_space<vmem>>, %arg10: memref<80x128xf32, #tpu.memory_space<vmem>>, %arg11: memref<10240x128xf32, #tpu.memory_space<vmem_shared>>, %arg12: memref<!tpu.dma_semaphore, #tpu.memory_space<semaphore_mem>>, %arg13: memref<!tpu.dma_semaphore, #tpu.memory_space<semaphore_mem>>, %arg14: memref<!tpu.dma_semaphore, #tpu.memory_space<semaphore_mem>>) attributes {dimension_semantics = [#tpu.dimension_semantics<core_parallel>, #tpu.dimension_semantics<subcore_parallel>], iteration_bounds = array<i64: 2, 16>, scalar_prefetch = 0 : i64, scratch_operands = 9 : i64, tpu.core_type = #tpu.core_type<sc_vector_subcore>, window_params = [{transform_indices = #map}, {transform_indices = #map1}, {transform_indices = #map}, {transform_indices = #map2}]} {
    %mul3A = arith.constant 16 : i32
    %mul3A_0 = arith.muli %arg0, %mul3A : i32
    %add3A = arith.addi %mul3A_0, %arg1 : i32
    %mul3A_1 = arith.constant 640 : i32
    %mul3A_2 = arith.muli %arg1, %mul3A_1 : i32
    "tpu.region"() ({
      %run_scoped3A = tpu.sem_alloc : memref<!tpu.dma_semaphore, #tpu.memory_space<semaphore_mem>>
      %dma_start3A = arith.constant 0 : i32
      %dma_start3A_13 = tpu.memref_slice %arg11[%mul3A_2, %dma_start3A] : memref<10240x128xf32, #tpu.memory_space<vmem_shared>> -> memref<640x128xf32, #tpu.memory_space<vmem_shared>>
      tpu.enqueue_dma source(%arg4 : memref<640x128xf32, #tpu.memory_space<hbm>>) target(%dma_start3A_13 : memref<640x128xf32, #tpu.memory_space<vmem_shared>>) target_semaphore(%run_scoped3A : memref<!tpu.dma_semaphore, #tpu.memory_space<semaphore_mem>>)
      %dma_wait3A = arith.constant 0 : i32
      %dma_wait3A_14 = tpu.memref_slice %arg11[%mul3A_2, %dma_wait3A] : memref<10240x128xf32, #tpu.memory_space<vmem_shared>> -> memref<640x128xf32, #tpu.memory_space<vmem_shared>>
      tpu.wait_dma2 semaphore(%run_scoped3A : memref<!tpu.dma_semaphore, #tpu.memory_space<semaphore_mem>>) src(%arg4 : memref<640x128xf32, #tpu.memory_space<hbm>>) dst(%dma_wait3A_14 : memref<640x128xf32, #tpu.memory_space<vmem_shared>>)
      tpu.yield
    }) : () -> ()
    %barrier3A = arith.constant 0 : index
    tpu.barrier barrier_id(%barrier3A)
    %scan3A = arith.constant 0 : i32
    %scan3A_3 = arith.constant 0 : i32
    %scan3A_4 = arith.constant 5 : i32
    %scan3A_5 = arith.addi %scan3A_3, %scan3A_4 : i32
    %scan3A_6 = arith.constant 1 : i32
    scf.for %scan3A_13 = %scan3A_3 to %scan3A_5 step %scan3A_6  : i32 {
      %run_scoped3A = arith.constant 0 : i32
      "tpu.region"() ({
        %run_scoped3A_79 = tpu.sem_alloc : memref<!tpu.dma_semaphore, #tpu.memory_space<semaphore_mem>>
        %dma_start3A_80 = arith.constant 0 : i32
        %dma_start3A_81 = arith.constant 0 : i32
        %dma_start3A_82 = tpu.memref_slice %arg3[%run_scoped3A, %add3A, %scan3A_13, %dma_start3A_80, %dma_start3A_81] : memref<2x32x5x25x80xi32, #tpu.memory_space<hbm>> -> memref<1x1x1x25x80xi32, #tpu.memory_space<hbm>>
        %dma_start3A_83 = tpu.memref_squeeze %dma_start3A_82 : memref<1x1x1x25x80xi32, #tpu.memory_space<hbm>> -> memref<25x80xi32, #tpu.memory_space<hbm>>
        %dma_start3A_84 = arith.constant 0 : i32
        %dma_start3A_85 = arith.constant 0 : i32
        %dma_start3A_86 = tpu.memref_slice %arg3[%run_scoped3A, %add3A, %scan3A_13, %dma_start3A_84, %dma_start3A_85] : memref<2x32x5x25x80xi32, #tpu.memory_space<hbm>> -> memref<1x1x1x25x80xi32, #tpu.memory_space<hbm>>
        %dma_start3A_87 = tpu.memref_squeeze %dma_start3A_86 : memref<1x1x1x25x80xi32, #tpu.memory_space<hbm>> -> memref<25x80xi32, #tpu.memory_space<hbm>>
        tpu.enqueue_dma source(%dma_start3A_87 : memref<25x80xi32, #tpu.memory_space<hbm>>) target(%arg6 : memref<25x80xi32, #tpu.memory_space<vmem>>) target_semaphore(%run_scoped3A_79 : memref<!tpu.dma_semaphore, #tpu.memory_space<semaphore_mem>>)
        %dma_wait3A_88 = arith.constant 0 : i32
        %dma_wait3A_89 = arith.constant 0 : i32
        %dma_wait3A_90 = tpu.memref_slice %arg3[%run_scoped3A, %add3A, %scan3A_13, %dma_wait3A_88, %dma_wait3A_89] : memref<2x32x5x25x80xi32, #tpu.memory_space<hbm>> -> memref<1x1x1x25x80xi32, #tpu.memory_space<hbm>>
        %dma_wait3A_91 = tpu.memref_squeeze %dma_wait3A_90 : memref<1x1x1x25x80xi32, #tpu.memory_space<hbm>> -> memref<25x80xi32, #tpu.memory_space<hbm>>
        %dma_wait3A_92 = arith.constant 0 : i32
        %dma_wait3A_93 = arith.constant 0 : i32
        %dma_wait3A_94 = tpu.memref_slice %arg3[%run_scoped3A, %add3A, %scan3A_13, %dma_wait3A_92, %dma_wait3A_93] : memref<2x32x5x25x80xi32, #tpu.memory_space<hbm>> -> memref<1x1x1x25x80xi32, #tpu.memory_space<hbm>>
        %dma_wait3A_95 = tpu.memref_squeeze %dma_wait3A_94 : memref<1x1x1x25x80xi32, #tpu.memory_space<hbm>> -> memref<25x80xi32, #tpu.memory_space<hbm>>
        tpu.wait_dma2 semaphore(%run_scoped3A_79 : memref<!tpu.dma_semaphore, #tpu.memory_space<semaphore_mem>>) src(%dma_wait3A_95 : memref<25x80xi32, #tpu.memory_space<hbm>>) dst(%arg6 : memref<25x80xi32, #tpu.memory_space<vmem>>)
        tpu.yield
      }) : () -> ()
      %run_scoped3A_14 = arith.constant 1 : i32
      "tpu.region"() ({
        %run_scoped3A_79 = tpu.sem_alloc : memref<!tpu.dma_semaphore, #tpu.memory_space<semaphore_mem>>
        %dma_start3A_80 = arith.constant 0 : i32
        %dma_start3A_81 = arith.constant 0 : i32
        %dma_start3A_82 = tpu.memref_slice %arg3[%run_scoped3A_14, %add3A, %scan3A_13, %dma_start3A_80, %dma_start3A_81] : memref<2x32x5x25x80xi32, #tpu.memory_space<hbm>> -> memref<1x1x1x25x80xi32, #tpu.memory_space<hbm>>
        %dma_start3A_83 = tpu.memref_squeeze %dma_start3A_82 : memref<1x1x1x25x80xi32, #tpu.memory_space<hbm>> -> memref<25x80xi32, #tpu.memory_space<hbm>>
        %dma_start3A_84 = arith.constant 0 : i32
        %dma_start3A_85 = arith.constant 0 : i32
        %dma_start3A_86 = tpu.memref_slice %arg3[%run_scoped3A_14, %add3A, %scan3A_13, %dma_start3A_84, %dma_start3A_85] : memref<2x32x5x25x80xi32, #tpu.memory_space<hbm>> -> memref<1x1x1x25x80xi32, #tpu.memory_space<hbm>>
        %dma_start3A_87 = tpu.memref_squeeze %dma_start3A_86 : memref<1x1x1x25x80xi32, #tpu.memory_space<hbm>> -> memref<25x80xi32, #tpu.memory_space<hbm>>
        tpu.enqueue_dma source(%dma_start3A_87 : memref<25x80xi32, #tpu.memory_space<hbm>>) target(%arg7 : memref<25x80xi32, #tpu.memory_space<vmem>>) target_semaphore(%run_scoped3A_79 : memref<!tpu.dma_semaphore, #tpu.memory_space<semaphore_mem>>)
        %dma_wait3A_88 = arith.constant 0 : i32
        %dma_wait3A_89 = arith.constant 0 : i32
        %dma_wait3A_90 = tpu.memref_slice %arg3[%run_scoped3A_14, %add3A, %scan3A_13, %dma_wait3A_88, %dma_wait3A_89] : memref<2x32x5x25x80xi32, #tpu.memory_space<hbm>> -> memref<1x1x1x25x80xi32, #tpu.memory_space<hbm>>
        %dma_wait3A_91 = tpu.memref_squeeze %dma_wait3A_90 : memref<1x1x1x25x80xi32, #tpu.memory_space<hbm>> -> memref<25x80xi32, #tpu.memory_space<hbm>>
        %dma_wait3A_92 = arith.constant 0 : i32
        %dma_wait3A_93 = arith.constant 0 : i32
        %dma_wait3A_94 = tpu.memref_slice %arg3[%run_scoped3A_14, %add3A, %scan3A_13, %dma_wait3A_92, %dma_wait3A_93] : memref<2x32x5x25x80xi32, #tpu.memory_space<hbm>> -> memref<1x1x1x25x80xi32, #tpu.memory_space<hbm>>
        %dma_wait3A_95 = tpu.memref_squeeze %dma_wait3A_94 : memref<1x1x1x25x80xi32, #tpu.memory_space<hbm>> -> memref<25x80xi32, #tpu.memory_space<hbm>>
        tpu.wait_dma2 semaphore(%run_scoped3A_79 : memref<!tpu.dma_semaphore, #tpu.memory_space<semaphore_mem>>) src(%dma_wait3A_95 : memref<25x80xi32, #tpu.memory_space<hbm>>) dst(%arg7 : memref<25x80xi32, #tpu.memory_space<vmem>>)
        tpu.yield
      }) : () -> ()
      %dma_start3A = arith.constant 0 : i32
      %dma_start3A_15 = arith.constant 0 : i32
      %dma_start3A_16 = tpu.memref_slice %arg6[%dma_start3A, %dma_start3A_15] : memref<25x80xi32, #tpu.memory_space<vmem>> -> memref<1x80xi32, #tpu.memory_space<vmem>>
      %dma_start3A_17 = tpu.memref_squeeze %dma_start3A_16 : memref<1x80xi32, #tpu.memory_space<vmem>> -> memref<80xi32, #tpu.memory_space<vmem>>
      %dma_start3A_18 = arith.constant 0 : i32
      %dma_start3A_19 = arith.constant 0 : i32
      %dma_start3A_20 = tpu.memref_slice %arg2[%dma_start3A_18, %dma_start3A_19] : memref<10000x128xf32, #tpu.memory_space<hbm>> -> memref<10000x128xf32, #tpu.memory_space<hbm>>
      tpu.enqueue_indirect_dma source(%dma_start3A_20 : memref<10000x128xf32, #tpu.memory_space<hbm>>) target(%arg8 : memref<80x128xf32, #tpu.memory_space<vmem>>) offsets(%dma_start3A_17 : memref<80xi32, #tpu.memory_space<vmem>>) semaphore(%arg12 : memref<!tpu.dma_semaphore, #tpu.memory_space<semaphore_mem>>)
      %dma_start3A_21 = arith.constant 1 : i32
      %dma_start3A_22 = arith.constant 0 : i32
      %dma_start3A_23 = tpu.memref_slice %arg6[%dma_start3A_21, %dma_start3A_22] : memref<25x80xi32, #tpu.memory_space<vmem>> -> memref<1x80xi32, #tpu.memory_space<vmem>>
      %dma_start3A_24 = tpu.memref_squeeze %dma_start3A_23 : memref<1x80xi32, #tpu.memory_space<vmem>> -> memref<80xi32, #tpu.memory_space<vmem>>
      %dma_start3A_25 = arith.constant 0 : i32
      %dma_start3A_26 = arith.constant 0 : i32
      %dma_start3A_27 = tpu.memref_slice %arg2[%dma_start3A_25, %dma_start3A_26] : memref<10000x128xf32, #tpu.memory_space<hbm>> -> memref<10000x128xf32, #tpu.memory_space<hbm>>
      tpu.enqueue_indirect_dma source(%dma_start3A_27 : memref<10000x128xf32, #tpu.memory_space<hbm>>) target(%arg9 : memref<80x128xf32, #tpu.memory_space<vmem>>) offsets(%dma_start3A_24 : memref<80xi32, #tpu.memory_space<vmem>>) semaphore(%arg13 : memref<!tpu.dma_semaphore, #tpu.memory_space<semaphore_mem>>)
      %scan3A_28 = arith.constant 0 : i32
      %scan3A_29 = arith.constant 0 : i32
      %scan3A_30 = arith.constant 7 : i32
      %scan3A_31 = arith.addi %scan3A_29, %scan3A_30 : i32
      %scan3A_32 = arith.constant 1 : i32
      scf.for %scan3A_79 = %scan3A_29 to %scan3A_31 step %scan3A_32  : i32 {
        %mul3A_80 = arith.constant 3 : i32
        %mul3A_81 = arith.muli %mul3A_80, %scan3A_79 : i32
        %add3A_82 = arith.constant 0 : i32
        %add3A_83 = arith.addi %mul3A_81, %add3A_82 : i32
        %add3A_84 = arith.constant 2 : i32
        %add3A_85 = arith.addi %add3A_83, %add3A_84 : i32
        %dma_start3A_86 = arith.constant 0 : i32
        %dma_start3A_87 = tpu.memref_slice %arg6[%add3A_85, %dma_start3A_86] : memref<25x80xi32, #tpu.memory_space<vmem>> -> memref<1x80xi32, #tpu.memory_space<vmem>>
        %dma_start3A_88 = tpu.memref_squeeze %dma_start3A_87 : memref<1x80xi32, #tpu.memory_space<vmem>> -> memref<80xi32, #tpu.memory_space<vmem>>
        %dma_start3A_89 = arith.constant 0 : i32
        %dma_start3A_90 = arith.constant 0 : i32
        %dma_start3A_91 = tpu.memref_slice %arg2[%dma_start3A_89, %dma_start3A_90] : memref<10000x128xf32, #tpu.memory_space<hbm>> -> memref<10000x128xf32, #tpu.memory_space<hbm>>
        tpu.enqueue_indirect_dma source(%dma_start3A_91 : memref<10000x128xf32, #tpu.memory_space<hbm>>) target(%arg10 : memref<80x128xf32, #tpu.memory_space<vmem>>) offsets(%dma_start3A_88 : memref<80xi32, #tpu.memory_space<vmem>>) semaphore(%arg14 : memref<!tpu.dma_semaphore, #tpu.memory_space<semaphore_mem>>)
        %dma_wait3A_92 = arith.constant 0 : i32
        %dma_wait3A_93 = tpu.memref_slice %arg6[%add3A_83, %dma_wait3A_92] : memref<25x80xi32, #tpu.memory_space<vmem>> -> memref<1x80xi32, #tpu.memory_space<vmem>>
        %dma_wait3A_94 = tpu.memref_squeeze %dma_wait3A_93 : memref<1x80xi32, #tpu.memory_space<vmem>> -> memref<80xi32, #tpu.memory_space<vmem>>
        %dma_wait3A_95 = arith.constant 0 : i32
        %dma_wait3A_96 = arith.constant 0 : i32
        %dma_wait3A_97 = tpu.memref_slice %arg2[%dma_wait3A_95, %dma_wait3A_96] : memref<10000x128xf32, #tpu.memory_space<hbm>> -> memref<10000x128xf32, #tpu.memory_space<hbm>>
        tpu.wait_indirect_dma semaphore(%arg12 : memref<!tpu.dma_semaphore, #tpu.memory_space<semaphore_mem>>) src(%dma_wait3A_97 : memref<10000x128xf32, #tpu.memory_space<hbm>>) dst(%arg8 : memref<80x128xf32, #tpu.memory_space<vmem>>)
        "tpu.region"() ({
          %run_scoped3A_134 = tpu.sem_alloc : memref<!tpu.dma_semaphore, #tpu.memory_space<semaphore_mem>>
          %dma_start3A_135 = arith.constant 0 : i32
          %dma_start3A_136 = tpu.memref_slice %arg7[%add3A_83, %dma_start3A_135] : memref<25x80xi32, #tpu.memory_space<vmem>> -> memref<1x80xi32, #tpu.memory_space<vmem>>
          %dma_start3A_137 = tpu.memref_squeeze %dma_start3A_136 : memref<1x80xi32, #tpu.memory_space<vmem>> -> memref<80xi32, #tpu.memory_space<vmem>>
          %dma_start3A_138 = arith.constant 0 : i32
          %dma_start3A_139 = arith.constant 0 : i32
          %dma_start3A_140 = tpu.memref_slice %arg11[%dma_start3A_138, %dma_start3A_139] : memref<10240x128xf32, #tpu.memory_space<vmem_shared>> -> memref<10240x128xf32, #tpu.memory_space<vmem_shared>>
          tpu.enqueue_indirect_dma source(%arg8 : memref<80x128xf32, #tpu.memory_space<vmem>>) target(%dma_start3A_140 : memref<10240x128xf32, #tpu.memory_space<vmem_shared>>) offsets(%dma_start3A_137 : memref<80xi32, #tpu.memory_space<vmem>>) semaphore(%run_scoped3A_134 : memref<!tpu.dma_semaphore, #tpu.memory_space<semaphore_mem>>) {add = true}
          %dma_wait3A_141 = arith.constant 0 : i32
          %dma_wait3A_142 = tpu.memref_slice %arg7[%add3A_83, %dma_wait3A_141] : memref<25x80xi32, #tpu.memory_space<vmem>> -> memref<1x80xi32, #tpu.memory_space<vmem>>
          %dma_wait3A_143 = tpu.memref_squeeze %dma_wait3A_142 : memref<1x80xi32, #tpu.memory_space<vmem>> -> memref<80xi32, #tpu.memory_space<vmem>>
          %dma_wait3A_144 = arith.constant 0 : i32
          %dma_wait3A_145 = arith.constant 0 : i32
          %dma_wait3A_146 = tpu.memref_slice %arg11[%dma_wait3A_144, %dma_wait3A_145] : memref<10240x128xf32, #tpu.memory_space<vmem_shared>> -> memref<10240x128xf32, #tpu.memory_space<vmem_shared>>
          tpu.wait_indirect_dma semaphore(%run_scoped3A_134 : memref<!tpu.dma_semaphore, #tpu.memory_space<semaphore_mem>>) src(%arg8 : memref<80x128xf32, #tpu.memory_space<vmem>>) dst(%dma_wait3A_146 : memref<10240x128xf32, #tpu.memory_space<vmem_shared>>)
          tpu.yield
        }) : () -> ()
        %mul3A_98 = arith.constant 3 : i32
        %mul3A_99 = arith.muli %mul3A_98, %scan3A_79 : i32
        %add3A_100 = arith.constant 1 : i32
        %add3A_101 = arith.addi %mul3A_99, %add3A_100 : i32
        %add3A_102 = arith.constant 2 : i32
        %add3A_103 = arith.addi %add3A_101, %add3A_102 : i32
        %dma_start3A_104 = arith.constant 0 : i32
        %dma_start3A_105 = tpu.memref_slice %arg6[%add3A_103, %dma_start3A_104] : memref<25x80xi32, #tpu.memory_space<vmem>> -> memref<1x80xi32, #tpu.memory_space<vmem>>
        %dma_start3A_106 = tpu.memref_squeeze %dma_start3A_105 : memref<1x80xi32, #tpu.memory_space<vmem>> -> memref<80xi32, #tpu.memory_space<vmem>>
        %dma_start3A_107 = arith.constant 0 : i32
        %dma_start3A_108 = arith.constant 0 : i32
        %dma_start3A_109 = tpu.memref_slice %arg2[%dma_start3A_107, %dma_start3A_108] : memref<10000x128xf32, #tpu.memory_space<hbm>> -> memref<10000x128xf32, #tpu.memory_space<hbm>>
        tpu.enqueue_indirect_dma source(%dma_start3A_109 : memref<10000x128xf32, #tpu.memory_space<hbm>>) target(%arg8 : memref<80x128xf32, #tpu.memory_space<vmem>>) offsets(%dma_start3A_106 : memref<80xi32, #tpu.memory_space<vmem>>) semaphore(%arg12 : memref<!tpu.dma_semaphore, #tpu.memory_space<semaphore_mem>>)
        %dma_wait3A_110 = arith.constant 0 : i32
        %dma_wait3A_111 = tpu.memref_slice %arg6[%add3A_101, %dma_wait3A_110] : memref<25x80xi32, #tpu.memory_space<vmem>> -> memref<1x80xi32, #tpu.memory_space<vmem>>
        %dma_wait3A_112 = tpu.memref_squeeze %dma_wait3A_111 : memref<1x80xi32, #tpu.memory_space<vmem>> -> memref<80xi32, #tpu.memory_space<vmem>>
        %dma_wait3A_113 = arith.constant 0 : i32
        %dma_wait3A_114 = arith.constant 0 : i32
        %dma_wait3A_115 = tpu.memref_slice %arg2[%dma_wait3A_113, %dma_wait3A_114] : memref<10000x128xf32, #tpu.memory_space<hbm>> -> memref<10000x128xf32, #tpu.memory_space<hbm>>
        tpu.wait_indirect_dma semaphore(%arg13 : memref<!tpu.dma_semaphore, #tpu.memory_space<semaphore_mem>>) src(%dma_wait3A_115 : memref<10000x128xf32, #tpu.memory_space<hbm>>) dst(%arg9 : memref<80x128xf32, #tpu.memory_space<vmem>>)
        "tpu.region"() ({
          %run_scoped3A_134 = tpu.sem_alloc : memref<!tpu.dma_semaphore, #tpu.memory_space<semaphore_mem>>
          %dma_start3A_135 = arith.constant 0 : i32
          %dma_start3A_136 = tpu.memref_slice %arg7[%add3A_101, %dma_start3A_135] : memref<25x80xi32, #tpu.memory_space<vmem>> -> memref<1x80xi32, #tpu.memory_space<vmem>>
          %dma_start3A_137 = tpu.memref_squeeze %dma_start3A_136 : memref<1x80xi32, #tpu.memory_space<vmem>> -> memref<80xi32, #tpu.memory_space<vmem>>
          %dma_start3A_138 = arith.constant 0 : i32
          %dma_start3A_139 = arith.constant 0 : i32
          %dma_start3A_140 = tpu.memref_slice %arg11[%dma_start3A_138, %dma_start3A_139] : memref<10240x128xf32, #tpu.memory_space<vmem_shared>> -> memref<10240x128xf32, #tpu.memory_space<vmem_shared>>
          tpu.enqueue_indirect_dma source(%arg9 : memref<80x128xf32, #tpu.memory_space<vmem>>) target(%dma_start3A_140 : memref<10240x128xf32, #tpu.memory_space<vmem_shared>>) offsets(%dma_start3A_137 : memref<80xi32, #tpu.memory_space<vmem>>) semaphore(%run_scoped3A_134 : memref<!tpu.dma_semaphore, #tpu.memory_space<semaphore_mem>>) {add = true}
          %dma_wait3A_141 = arith.constant 0 : i32
          %dma_wait3A_142 = tpu.memref_slice %arg7[%add3A_101, %dma_wait3A_141] : memref<25x80xi32, #tpu.memory_space<vmem>> -> memref<1x80xi32, #tpu.memory_space<vmem>>
          %dma_wait3A_143 = tpu.memref_squeeze %dma_wait3A_142 : memref<1x80xi32, #tpu.memory_space<vmem>> -> memref<80xi32, #tpu.memory_space<vmem>>
          %dma_wait3A_144 = arith.constant 0 : i32
          %dma_wait3A_145 = arith.constant 0 : i32
          %dma_wait3A_146 = tpu.memref_slice %arg11[%dma_wait3A_144, %dma_wait3A_145] : memref<10240x128xf32, #tpu.memory_space<vmem_shared>> -> memref<10240x128xf32, #tpu.memory_space<vmem_shared>>
          tpu.wait_indirect_dma semaphore(%run_scoped3A_134 : memref<!tpu.dma_semaphore, #tpu.memory_space<semaphore_mem>>) src(%arg9 : memref<80x128xf32, #tpu.memory_space<vmem>>) dst(%dma_wait3A_146 : memref<10240x128xf32, #tpu.memory_space<vmem_shared>>)
          tpu.yield
        }) : () -> ()
        %mul3A_116 = arith.constant 3 : i32
        %mul3A_117 = arith.muli %mul3A_116, %scan3A_79 : i32
        %add3A_118 = arith.constant 2 : i32
        %add3A_119 = arith.addi %mul3A_117, %add3A_118 : i32
        %add3A_120 = arith.constant 2 : i32
        %add3A_121 = arith.addi %add3A_119, %add3A_120 : i32
        %dma_start3A_122 = arith.constant 0 : i32
        %dma_start3A_123 = tpu.memref_slice %arg6[%add3A_121, %dma_start3A_122] : memref<25x80xi32, #tpu.memory_space<vmem>> -> memref<1x80xi32, #tpu.memory_space<vmem>>
        %dma_start3A_124 = tpu.memref_squeeze %dma_start3A_123 : memref<1x80xi32, #tpu.memory_space<vmem>> -> memref<80xi32, #tpu.memory_space<vmem>>
        %dma_start3A_125 = arith.constant 0 : i32
        %dma_start3A_126 = arith.constant 0 : i32
        %dma_start3A_127 = tpu.memref_slice %arg2[%dma_start3A_125, %dma_start3A_126] : memref<10000x128xf32, #tpu.memory_space<hbm>> -> memref<10000x128xf32, #tpu.memory_space<hbm>>
        tpu.enqueue_indirect_dma source(%dma_start3A_127 : memref<10000x128xf32, #tpu.memory_space<hbm>>) target(%arg9 : memref<80x128xf32, #tpu.memory_space<vmem>>) offsets(%dma_start3A_124 : memref<80xi32, #tpu.memory_space<vmem>>) semaphore(%arg13 : memref<!tpu.dma_semaphore, #tpu.memory_space<semaphore_mem>>)
        %dma_wait3A_128 = arith.constant 0 : i32
        %dma_wait3A_129 = tpu.memref_slice %arg6[%add3A_119, %dma_wait3A_128] : memref<25x80xi32, #tpu.memory_space<vmem>> -> memref<1x80xi32, #tpu.memory_space<vmem>>
        %dma_wait3A_130 = tpu.memref_squeeze %dma_wait3A_129 : memref<1x80xi32, #tpu.memory_space<vmem>> -> memref<80xi32, #tpu.memory_space<vmem>>
        %dma_wait3A_131 = arith.constant 0 : i32
        %dma_wait3A_132 = arith.constant 0 : i32
        %dma_wait3A_133 = tpu.memref_slice %arg2[%dma_wait3A_131, %dma_wait3A_132] : memref<10000x128xf32, #tpu.memory_space<hbm>> -> memref<10000x128xf32, #tpu.memory_space<hbm>>
        tpu.wait_indirect_dma semaphore(%arg14 : memref<!tpu.dma_semaphore, #tpu.memory_space<semaphore_mem>>) src(%dma_wait3A_133 : memref<10000x128xf32, #tpu.memory_space<hbm>>) dst(%arg10 : memref<80x128xf32, #tpu.memory_space<vmem>>)
        "tpu.region"() ({
          %run_scoped3A_134 = tpu.sem_alloc : memref<!tpu.dma_semaphore, #tpu.memory_space<semaphore_mem>>
          %dma_start3A_135 = arith.constant 0 : i32
          %dma_start3A_136 = tpu.memref_slice %arg7[%add3A_119, %dma_start3A_135] : memref<25x80xi32, #tpu.memory_space<vmem>> -> memref<1x80xi32, #tpu.memory_space<vmem>>
          %dma_start3A_137 = tpu.memref_squeeze %dma_start3A_136 : memref<1x80xi32, #tpu.memory_space<vmem>> -> memref<80xi32, #tpu.memory_space<vmem>>
          %dma_start3A_138 = arith.constant 0 : i32
          %dma_start3A_139 = arith.constant 0 : i32
          %dma_start3A_140 = tpu.memref_slice %arg11[%dma_start3A_138, %dma_start3A_139] : memref<10240x128xf32, #tpu.memory_space<vmem_shared>> -> memref<10240x128xf32, #tpu.memory_space<vmem_shared>>
          tpu.enqueue_indirect_dma source(%arg10 : memref<80x128xf32, #tpu.memory_space<vmem>>) target(%dma_start3A_140 : memref<10240x128xf32, #tpu.memory_space<vmem_shared>>) offsets(%dma_start3A_137 : memref<80xi32, #tpu.memory_space<vmem>>) semaphore(%run_scoped3A_134 : memref<!tpu.dma_semaphore, #tpu.memory_space<semaphore_mem>>) {add = true}
          %dma_wait3A_141 = arith.constant 0 : i32
          %dma_wait3A_142 = tpu.memref_slice %arg7[%add3A_119, %dma_wait3A_141] : memref<25x80xi32, #tpu.memory_space<vmem>> -> memref<1x80xi32, #tpu.memory_space<vmem>>
          %dma_wait3A_143 = tpu.memref_squeeze %dma_wait3A_142 : memref<1x80xi32, #tpu.memory_space<vmem>> -> memref<80xi32, #tpu.memory_space<vmem>>
          %dma_wait3A_144 = arith.constant 0 : i32
          %dma_wait3A_145 = arith.constant 0 : i32
          %dma_wait3A_146 = tpu.memref_slice %arg11[%dma_wait3A_144, %dma_wait3A_145] : memref<10240x128xf32, #tpu.memory_space<vmem_shared>> -> memref<10240x128xf32, #tpu.memory_space<vmem_shared>>
          tpu.wait_indirect_dma semaphore(%run_scoped3A_134 : memref<!tpu.dma_semaphore, #tpu.memory_space<semaphore_mem>>) src(%arg10 : memref<80x128xf32, #tpu.memory_space<vmem>>) dst(%dma_wait3A_146 : memref<10240x128xf32, #tpu.memory_space<vmem_shared>>)
          tpu.yield
        }) : () -> ()
      }
      %scan3A_33 = arith.constant 7 : i32
      %dma_start3A_34 = arith.constant 23 : i32
      %dma_start3A_35 = arith.constant 0 : i32
      %dma_start3A_36 = tpu.memref_slice %arg6[%dma_start3A_34, %dma_start3A_35] : memref<25x80xi32, #tpu.memory_space<vmem>> -> memref<1x80xi32, #tpu.memory_space<vmem>>
      %dma_start3A_37 = tpu.memref_squeeze %dma_start3A_36 : memref<1x80xi32, #tpu.memory_space<vmem>> -> memref<80xi32, #tpu.memory_space<vmem>>
      %dma_start3A_38 = arith.constant 0 : i32
      %dma_start3A_39 = arith.constant 0 : i32
      %dma_start3A_40 = tpu.memref_slice %arg2[%dma_start3A_38, %dma_start3A_39] : memref<10000x128xf32, #tpu.memory_space<hbm>> -> memref<10000x128xf32, #tpu.memory_space<hbm>>
      tpu.enqueue_indirect_dma source(%dma_start3A_40 : memref<10000x128xf32, #tpu.memory_space<hbm>>) target(%arg10 : memref<80x128xf32, #tpu.memory_space<vmem>>) offsets(%dma_start3A_37 : memref<80xi32, #tpu.memory_space<vmem>>) semaphore(%arg14 : memref<!tpu.dma_semaphore, #tpu.memory_space<semaphore_mem>>)
      %dma_wait3A = arith.constant 21 : i32
      %dma_wait3A_41 = arith.constant 0 : i32
      %dma_wait3A_42 = tpu.memref_slice %arg6[%dma_wait3A, %dma_wait3A_41] : memref<25x80xi32, #tpu.memory_space<vmem>> -> memref<1x80xi32, #tpu.memory_space<vmem>>
      %dma_wait3A_43 = tpu.memref_squeeze %dma_wait3A_42 : memref<1x80xi32, #tpu.memory_space<vmem>> -> memref<80xi32, #tpu.memory_space<vmem>>
      %dma_wait3A_44 = arith.constant 0 : i32
      %dma_wait3A_45 = arith.constant 0 : i32
      %dma_wait3A_46 = tpu.memref_slice %arg2[%dma_wait3A_44, %dma_wait3A_45] : memref<10000x128xf32, #tpu.memory_space<hbm>> -> memref<10000x128xf32, #tpu.memory_space<hbm>>
      tpu.wait_indirect_dma semaphore(%arg12 : memref<!tpu.dma_semaphore, #tpu.memory_space<semaphore_mem>>) src(%dma_wait3A_46 : memref<10000x128xf32, #tpu.memory_space<hbm>>) dst(%arg8 : memref<80x128xf32, #tpu.memory_space<vmem>>)
      %run_scoped3A_47 = arith.constant 21 : i32
      "tpu.region"() ({
        %run_scoped3A_79 = tpu.sem_alloc : memref<!tpu.dma_semaphore, #tpu.memory_space<semaphore_mem>>
        %dma_start3A_80 = arith.constant 0 : i32
        %dma_start3A_81 = tpu.memref_slice %arg7[%run_scoped3A_47, %dma_start3A_80] : memref<25x80xi32, #tpu.memory_space<vmem>> -> memref<1x80xi32, #tpu.memory_space<vmem>>
        %dma_start3A_82 = tpu.memref_squeeze %dma_start3A_81 : memref<1x80xi32, #tpu.memory_space<vmem>> -> memref<80xi32, #tpu.memory_space<vmem>>
        %dma_start3A_83 = arith.constant 0 : i32
        %dma_start3A_84 = arith.constant 0 : i32
        %dma_start3A_85 = tpu.memref_slice %arg11[%dma_start3A_83, %dma_start3A_84] : memref<10240x128xf32, #tpu.memory_space<vmem_shared>> -> memref<10240x128xf32, #tpu.memory_space<vmem_shared>>
        tpu.enqueue_indirect_dma source(%arg8 : memref<80x128xf32, #tpu.memory_space<vmem>>) target(%dma_start3A_85 : memref<10240x128xf32, #tpu.memory_space<vmem_shared>>) offsets(%dma_start3A_82 : memref<80xi32, #tpu.memory_space<vmem>>) semaphore(%run_scoped3A_79 : memref<!tpu.dma_semaphore, #tpu.memory_space<semaphore_mem>>) {add = true}
        %dma_wait3A_86 = arith.constant 0 : i32
        %dma_wait3A_87 = tpu.memref_slice %arg7[%run_scoped3A_47, %dma_wait3A_86] : memref<25x80xi32, #tpu.memory_space<vmem>> -> memref<1x80xi32, #tpu.memory_space<vmem>>
        %dma_wait3A_88 = tpu.memref_squeeze %dma_wait3A_87 : memref<1x80xi32, #tpu.memory_space<vmem>> -> memref<80xi32, #tpu.memory_space<vmem>>
        %dma_wait3A_89 = arith.constant 0 : i32
        %dma_wait3A_90 = arith.constant 0 : i32
        %dma_wait3A_91 = tpu.memref_slice %arg11[%dma_wait3A_89, %dma_wait3A_90] : memref<10240x128xf32, #tpu.memory_space<vmem_shared>> -> memref<10240x128xf32, #tpu.memory_space<vmem_shared>>
        tpu.wait_indirect_dma semaphore(%run_scoped3A_79 : memref<!tpu.dma_semaphore, #tpu.memory_space<semaphore_mem>>) src(%arg8 : memref<80x128xf32, #tpu.memory_space<vmem>>) dst(%dma_wait3A_91 : memref<10240x128xf32, #tpu.memory_space<vmem_shared>>)
        tpu.yield
      }) : () -> ()
      %dma_start3A_48 = arith.constant 24 : i32
      %dma_start3A_49 = arith.constant 0 : i32
      %dma_start3A_50 = tpu.memref_slice %arg6[%dma_start3A_48, %dma_start3A_49] : memref<25x80xi32, #tpu.memory_space<vmem>> -> memref<1x80xi32, #tpu.memory_space<vmem>>
      %dma_start3A_51 = tpu.memref_squeeze %dma_start3A_50 : memref<1x80xi32, #tpu.memory_space<vmem>> -> memref<80xi32, #tpu.memory_space<vmem>>
      %dma_start3A_52 = arith.constant 0 : i32
      %dma_start3A_53 = arith.constant 0 : i32
      %dma_start3A_54 = tpu.memref_slice %arg2[%dma_start3A_52, %dma_start3A_53] : memref<10000x128xf32, #tpu.memory_space<hbm>> -> memref<10000x128xf32, #tpu.memory_space<hbm>>
      tpu.enqueue_indirect_dma source(%dma_start3A_54 : memref<10000x128xf32, #tpu.memory_space<hbm>>) target(%arg8 : memref<80x128xf32, #tpu.memory_space<vmem>>) offsets(%dma_start3A_51 : memref<80xi32, #tpu.memory_space<vmem>>) semaphore(%arg12 : memref<!tpu.dma_semaphore, #tpu.memory_space<semaphore_mem>>)
      %dma_wait3A_55 = arith.constant 22 : i32
      %dma_wait3A_56 = arith.constant 0 : i32
      %dma_wait3A_57 = tpu.memref_slice %arg6[%dma_wait3A_55, %dma_wait3A_56] : memref<25x80xi32, #tpu.memory_space<vmem>> -> memref<1x80xi32, #tpu.memory_space<vmem>>
      %dma_wait3A_58 = tpu.memref_squeeze %dma_wait3A_57 : memref<1x80xi32, #tpu.memory_space<vmem>> -> memref<80xi32, #tpu.memory_space<vmem>>
      %dma_wait3A_59 = arith.constant 0 : i32
      %dma_wait3A_60 = arith.constant 0 : i32
      %dma_wait3A_61 = tpu.memref_slice %arg2[%dma_wait3A_59, %dma_wait3A_60] : memref<10000x128xf32, #tpu.memory_space<hbm>> -> memref<10000x128xf32, #tpu.memory_space<hbm>>
      tpu.wait_indirect_dma semaphore(%arg13 : memref<!tpu.dma_semaphore, #tpu.memory_space<semaphore_mem>>) src(%dma_wait3A_61 : memref<10000x128xf32, #tpu.memory_space<hbm>>) dst(%arg9 : memref<80x128xf32, #tpu.memory_space<vmem>>)
      %run_scoped3A_62 = arith.constant 22 : i32
      "tpu.region"() ({
        %run_scoped3A_79 = tpu.sem_alloc : memref<!tpu.dma_semaphore, #tpu.memory_space<semaphore_mem>>
        %dma_start3A_80 = arith.constant 0 : i32
        %dma_start3A_81 = tpu.memref_slice %arg7[%run_scoped3A_62, %dma_start3A_80] : memref<25x80xi32, #tpu.memory_space<vmem>> -> memref<1x80xi32, #tpu.memory_space<vmem>>
        %dma_start3A_82 = tpu.memref_squeeze %dma_start3A_81 : memref<1x80xi32, #tpu.memory_space<vmem>> -> memref<80xi32, #tpu.memory_space<vmem>>
        %dma_start3A_83 = arith.constant 0 : i32
        %dma_start3A_84 = arith.constant 0 : i32
        %dma_start3A_85 = tpu.memref_slice %arg11[%dma_start3A_83, %dma_start3A_84] : memref<10240x128xf32, #tpu.memory_space<vmem_shared>> -> memref<10240x128xf32, #tpu.memory_space<vmem_shared>>
        tpu.enqueue_indirect_dma source(%arg9 : memref<80x128xf32, #tpu.memory_space<vmem>>) target(%dma_start3A_85 : memref<10240x128xf32, #tpu.memory_space<vmem_shared>>) offsets(%dma_start3A_82 : memref<80xi32, #tpu.memory_space<vmem>>) semaphore(%run_scoped3A_79 : memref<!tpu.dma_semaphore, #tpu.memory_space<semaphore_mem>>) {add = true}
        %dma_wait3A_86 = arith.constant 0 : i32
        %dma_wait3A_87 = tpu.memref_slice %arg7[%run_scoped3A_62, %dma_wait3A_86] : memref<25x80xi32, #tpu.memory_space<vmem>> -> memref<1x80xi32, #tpu.memory_space<vmem>>
        %dma_wait3A_88 = tpu.memref_squeeze %dma_wait3A_87 : memref<1x80xi32, #tpu.memory_space<vmem>> -> memref<80xi32, #tpu.memory_space<vmem>>
        %dma_wait3A_89 = arith.constant 0 : i32
        %dma_wait3A_90 = arith.constant 0 : i32
        %dma_wait3A_91 = tpu.memref_slice %arg11[%dma_wait3A_89, %dma_wait3A_90] : memref<10240x128xf32, #tpu.memory_space<vmem_shared>> -> memref<10240x128xf32, #tpu.memory_space<vmem_shared>>
        tpu.wait_indirect_dma semaphore(%run_scoped3A_79 : memref<!tpu.dma_semaphore, #tpu.memory_space<semaphore_mem>>) src(%arg9 : memref<80x128xf32, #tpu.memory_space<vmem>>) dst(%dma_wait3A_91 : memref<10240x128xf32, #tpu.memory_space<vmem_shared>>)
        tpu.yield
      }) : () -> ()
      %dma_wait3A_63 = arith.constant 23 : i32
      %dma_wait3A_64 = arith.constant 0 : i32
      %dma_wait3A_65 = tpu.memref_slice %arg6[%dma_wait3A_63, %dma_wait3A_64] : memref<25x80xi32, #tpu.memory_space<vmem>> -> memref<1x80xi32, #tpu.memory_space<vmem>>
      %dma_wait3A_66 = tpu.memref_squeeze %dma_wait3A_65 : memref<1x80xi32, #tpu.memory_space<vmem>> -> memref<80xi32, #tpu.memory_space<vmem>>
      %dma_wait3A_67 = arith.constant 0 : i32
      %dma_wait3A_68 = arith.constant 0 : i32
      %dma_wait3A_69 = tpu.memref_slice %arg2[%dma_wait3A_67, %dma_wait3A_68] : memref<10000x128xf32, #tpu.memory_space<hbm>> -> memref<10000x128xf32, #tpu.memory_space<hbm>>
      tpu.wait_indirect_dma semaphore(%arg14 : memref<!tpu.dma_semaphore, #tpu.memory_space<semaphore_mem>>) src(%dma_wait3A_69 : memref<10000x128xf32, #tpu.memory_space<hbm>>) dst(%arg10 : memref<80x128xf32, #tpu.memory_space<vmem>>)
      %run_scoped3A_70 = arith.constant 23 : i32
      "tpu.region"() ({
        %run_scoped3A_79 = tpu.sem_alloc : memref<!tpu.dma_semaphore, #tpu.memory_space<semaphore_mem>>
        %dma_start3A_80 = arith.constant 0 : i32
        %dma_start3A_81 = tpu.memref_slice %arg7[%run_scoped3A_70, %dma_start3A_80] : memref<25x80xi32, #tpu.memory_space<vmem>> -> memref<1x80xi32, #tpu.memory_space<vmem>>
        %dma_start3A_82 = tpu.memref_squeeze %dma_start3A_81 : memref<1x80xi32, #tpu.memory_space<vmem>> -> memref<80xi32, #tpu.memory_space<vmem>>
        %dma_start3A_83 = arith.constant 0 : i32
        %dma_start3A_84 = arith.constant 0 : i32
        %dma_start3A_85 = tpu.memref_slice %arg11[%dma_start3A_83, %dma_start3A_84] : memref<10240x128xf32, #tpu.memory_space<vmem_shared>> -> memref<10240x128xf32, #tpu.memory_space<vmem_shared>>
        tpu.enqueue_indirect_dma source(%arg10 : memref<80x128xf32, #tpu.memory_space<vmem>>) target(%dma_start3A_85 : memref<10240x128xf32, #tpu.memory_space<vmem_shared>>) offsets(%dma_start3A_82 : memref<80xi32, #tpu.memory_space<vmem>>) semaphore(%run_scoped3A_79 : memref<!tpu.dma_semaphore, #tpu.memory_space<semaphore_mem>>) {add = true}
        %dma_wait3A_86 = arith.constant 0 : i32
        %dma_wait3A_87 = tpu.memref_slice %arg7[%run_scoped3A_70, %dma_wait3A_86] : memref<25x80xi32, #tpu.memory_space<vmem>> -> memref<1x80xi32, #tpu.memory_space<vmem>>
        %dma_wait3A_88 = tpu.memref_squeeze %dma_wait3A_87 : memref<1x80xi32, #tpu.memory_space<vmem>> -> memref<80xi32, #tpu.memory_space<vmem>>
        %dma_wait3A_89 = arith.constant 0 : i32
        %dma_wait3A_90 = arith.constant 0 : i32
        %dma_wait3A_91 = tpu.memref_slice %arg11[%dma_wait3A_89, %dma_wait3A_90] : memref<10240x128xf32, #tpu.memory_space<vmem_shared>> -> memref<10240x128xf32, #tpu.memory_space<vmem_shared>>
        tpu.wait_indirect_dma semaphore(%run_scoped3A_79 : memref<!tpu.dma_semaphore, #tpu.memory_space<semaphore_mem>>) src(%arg10 : memref<80x128xf32, #tpu.memory_space<vmem>>) dst(%dma_wait3A_91 : memref<10240x128xf32, #tpu.memory_space<vmem_shared>>)
        tpu.yield
      }) : () -> ()
      %dma_wait3A_71 = arith.constant 24 : i32
      %dma_wait3A_72 = arith.constant 0 : i32
      %dma_wait3A_73 = tpu.memref_slice %arg6[%dma_wait3A_71, %dma_wait3A_72] : memref<25x80xi32, #tpu.memory_space<vmem>> -> memref<1x80xi32, #tpu.memory_space<vmem>>
      %dma_wait3A_74 = tpu.memref_squeeze %dma_wait3A_73 : memref<1x80xi32, #tpu.memory_space<vmem>> -> memref<80xi32, #tpu.memory_space<vmem>>
      %dma_wait3A_75 = arith.constant 0 : i32
      %dma_wait3A_76 = arith.constant 0 : i32
      %dma_wait3A_77 = tpu.memref_slice %arg2[%dma_wait3A_75, %dma_wait3A_76] : memref<10000x128xf32, #tpu.memory_space<hbm>> -> memref<10000x128xf32, #tpu.memory_space<hbm>>
      tpu.wait_indirect_dma semaphore(%arg12 : memref<!tpu.dma_semaphore, #tpu.memory_space<semaphore_mem>>) src(%dma_wait3A_77 : memref<10000x128xf32, #tpu.memory_space<hbm>>) dst(%arg8 : memref<80x128xf32, #tpu.memory_space<vmem>>)
      %run_scoped3A_78 = arith.constant 24 : i32
      "tpu.region"() ({
        %run_scoped3A_79 = tpu.sem_alloc : memref<!tpu.dma_semaphore, #tpu.memory_space<semaphore_mem>>
        %dma_start3A_80 = arith.constant 0 : i32
        %dma_start3A_81 = tpu.memref_slice %arg7[%run_scoped3A_78, %dma_start3A_80] : memref<25x80xi32, #tpu.memory_space<vmem>> -> memref<1x80xi32, #tpu.memory_space<vmem>>
        %dma_start3A_82 = tpu.memref_squeeze %dma_start3A_81 : memref<1x80xi32, #tpu.memory_space<vmem>> -> memref<80xi32, #tpu.memory_space<vmem>>
        %dma_start3A_83 = arith.constant 0 : i32
        %dma_start3A_84 = arith.constant 0 : i32
        %dma_start3A_85 = tpu.memref_slice %arg11[%dma_start3A_83, %dma_start3A_84] : memref<10240x128xf32, #tpu.memory_space<vmem_shared>> -> memref<10240x128xf32, #tpu.memory_space<vmem_shared>>
        tpu.enqueue_indirect_dma source(%arg8 : memref<80x128xf32, #tpu.memory_space<vmem>>) target(%dma_start3A_85 : memref<10240x128xf32, #tpu.memory_space<vmem_shared>>) offsets(%dma_start3A_82 : memref<80xi32, #tpu.memory_space<vmem>>) semaphore(%run_scoped3A_79 : memref<!tpu.dma_semaphore, #tpu.memory_space<semaphore_mem>>) {add = true}
        %dma_wait3A_86 = arith.constant 0 : i32
        %dma_wait3A_87 = tpu.memref_slice %arg7[%run_scoped3A_78, %dma_wait3A_86] : memref<25x80xi32, #tpu.memory_space<vmem>> -> memref<1x80xi32, #tpu.memory_space<vmem>>
        %dma_wait3A_88 = tpu.memref_squeeze %dma_wait3A_87 : memref<1x80xi32, #tpu.memory_space<vmem>> -> memref<80xi32, #tpu.memory_space<vmem>>
        %dma_wait3A_89 = arith.constant 0 : i32
        %dma_wait3A_90 = arith.constant 0 : i32
        %dma_wait3A_91 = tpu.memref_slice %arg11[%dma_wait3A_89, %dma_wait3A_90] : memref<10240x128xf32, #tpu.memory_space<vmem_shared>> -> memref<10240x128xf32, #tpu.memory_space<vmem_shared>>
        tpu.wait_indirect_dma semaphore(%run_scoped3A_79 : memref<!tpu.dma_semaphore, #tpu.memory_space<semaphore_mem>>) src(%arg8 : memref<80x128xf32, #tpu.memory_space<vmem>>) dst(%dma_wait3A_91 : memref<10240x128xf32, #tpu.memory_space<vmem_shared>>)
        tpu.yield
      }) : () -> ()
    }
    %scan3A_7 = arith.constant 5 : i32
    %barrier3A_8 = arith.constant 0 : index
    tpu.barrier barrier_id(%barrier3A_8)
    %mul3A_9 = arith.constant 640 : i32
    %mul3A_10 = arith.muli %arg1, %mul3A_9 : i32
    %mul3A_11 = arith.constant 640 : i32
    %mul3A_12 = arith.muli %arg1, %mul3A_11 : i32
    "tpu.region"() ({
      %run_scoped3A = tpu.sem_alloc : memref<!tpu.dma_semaphore, #tpu.memory_space<semaphore_mem>>
      %dma_start3A = arith.constant 0 : i32
      %dma_start3A_13 = tpu.memref_slice %arg5[%arg0, %mul3A_12, %dma_start3A] : memref<2x10240x128xf32, #tpu.memory_space<hbm>> -> memref<1x640x128xf32, #tpu.memory_space<hbm>>
      %dma_start3A_14 = tpu.memref_squeeze %dma_start3A_13 : memref<1x640x128xf32, #tpu.memory_space<hbm>> -> memref<640x128xf32, #tpu.memory_space<hbm>>
      %dma_start3A_15 = arith.constant 0 : i32
      %dma_start3A_16 = tpu.memref_slice %arg11[%mul3A_10, %dma_start3A_15] : memref<10240x128xf32, #tpu.memory_space<vmem_shared>> -> memref<640x128xf32, #tpu.memory_space<vmem_shared>>
      tpu.enqueue_dma source(%dma_start3A_16 : memref<640x128xf32, #tpu.memory_space<vmem_shared>>) target(%dma_start3A_14 : memref<640x128xf32, #tpu.memory_space<hbm>>) target_semaphore(%run_scoped3A : memref<!tpu.dma_semaphore, #tpu.memory_space<semaphore_mem>>)
      %dma_wait3A = arith.constant 0 : i32
      %dma_wait3A_17 = tpu.memref_slice %arg5[%arg0, %mul3A_12, %dma_wait3A] : memref<2x10240x128xf32, #tpu.memory_space<hbm>> -> memref<1x640x128xf32, #tpu.memory_space<hbm>>
      %dma_wait3A_18 = tpu.memref_squeeze %dma_wait3A_17 : memref<1x640x128xf32, #tpu.memory_space<hbm>> -> memref<640x128xf32, #tpu.memory_space<hbm>>
      %dma_wait3A_19 = arith.constant 0 : i32
      %dma_wait3A_20 = tpu.memref_slice %arg11[%mul3A_10, %dma_wait3A_19] : memref<10240x128xf32, #tpu.memory_space<vmem_shared>> -> memref<640x128xf32, #tpu.memory_space<vmem_shared>>
      tpu.wait_dma2 semaphore(%run_scoped3A : memref<!tpu.dma_semaphore, #tpu.memory_space<semaphore_mem>>) src(%dma_wait3A_20 : memref<640x128xf32, #tpu.memory_space<vmem_shared>>) dst(%dma_wait3A_18 : memref<640x128xf32, #tpu.memory_space<hbm>>)
      tpu.yield
    }) : () -> ()
    return
  }
}

module attributes {stable_mosaic.version = 14 : i64} {
  func.func @_deg_body(%arg0: i32, %arg1: memref<1x1x1x12800xi32, #tpu.memory_space<vmem>>, %arg2: memref<80x128xf32, #tpu.memory_space<vmem>>) attributes {dimension_semantics = [#tpu.dimension_semantics<arbitrary>], iteration_bounds = array<i64: 25>, scalar_prefetch = 0 : i64, scratch_operands = 0 : i64, tpu.core_type = #tpu.core_type<tc>, window_params = [{transform_indices = @transform_0, window_bounds = array<i64: 1, 1, 1, 12800>}, {pipeline_mode = #tpu.pipeline_mode<synchronous>, transform_indices = @transform_1, window_bounds = array<i64: 80, 128>}]} {
    %eq3A = arith.constant 0 : i32
    %eq3A_0 = arith.cmpi eq, %arg0, %eq3A : i32
    %convert_element_type3A = arith.extui %eq3A_0 : i1 to i32
    %cond3A = arith.constant 0 : i32
    %cond3A_1 = arith.cmpi ne, %convert_element_type3A, %cond3A : i32
    scf.if %cond3A_1 {
      %broadcast_in_dim3A = arith.constant 0.000000e+00 : f32
      %broadcast_in_dim3A_28 = vector.broadcast %broadcast_in_dim3A : f32 to vector<80x128xf32>
      %swap3A_29 = arith.constant 0 : index
      %swap3A_30 = arith.constant 0 : index
      %swap3A_31 = vector.load %arg2[%swap3A_29, %swap3A_30] : memref<80x128xf32, #tpu.memory_space<vmem>>, vector<80x128xf32>
      tpu.vector_store %arg2[%swap3A_29, %swap3A_30], %broadcast_in_dim3A_28 {strides = array<i32>} : memref<80x128xf32, #tpu.memory_space<vmem>>, vector<80x128xf32>,
    } else {
    }
    %get3A = arith.constant 0 : index
    %get3A_2 = arith.constant 0 : index
    %get3A_3 = arith.constant 0 : index
    %get3A_4 = arith.constant 0 : index
    %get3A_5 = vector.load %arg1[%get3A, %get3A_2, %get3A_3, %get3A_4] : memref<1x1x1x12800xi32, #tpu.memory_space<vmem>>, vector<1x1x1x12800xi32>
    %get3A_6 = vector.shape_cast %get3A_5 : vector<1x1x1x12800xi32> to vector<1x12800xi32>
    %shift_right_logical3A = arith.constant 7 : i32
    %shift_right_logical3A_7 = vector.broadcast %shift_right_logical3A : i32 to vector<1x12800xi32>
    %shift_right_logical3A_8 = arith.shrui %get3A_6, %shift_right_logical3A_7 : vector<1x12800xi32>
    %and3A = arith.constant 127 : i32
    %and3A_9 = vector.broadcast %and3A : i32 to vector<1x12800xi32>
    %and3A_10 = arith.andi %get3A_6, %and3A_9 : vector<1x12800xi32>
    %iota3A = tpu.iota {dimensions = array<i32: 0>} : vector<80x12800xi32>
    %iota3A_11 = tpu.iota {dimensions = array<i32: 0>} : vector<128x12800xi32>
    %eq3A_12 = vector.broadcast %shift_right_logical3A_8 : vector<1x12800xi32> to vector<80x12800xi32>
    %eq3A_13 = arith.cmpi eq, %eq3A_12, %iota3A : vector<80x12800xi32>
    %convert_element_type3A_14 = arith.extui %eq3A_13 : vector<80x12800xi1> to vector<80x12800xi32>
    %convert_element_type3A_15 = arith.sitofp %convert_element_type3A_14 : vector<80x12800xi32> to vector<80x12800xf32>
    %convert_element_type3A_16 = arith.truncf %convert_element_type3A_15 : vector<80x12800xf32> to vector<80x12800xbf16>
    %eq3A_17 = vector.broadcast %and3A_10 : vector<1x12800xi32> to vector<128x12800xi32>
    %eq3A_18 = arith.cmpi eq, %eq3A_17, %iota3A_11 : vector<128x12800xi32>
    %convert_element_type3A_19 = arith.extui %eq3A_18 : vector<128x12800xi1> to vector<128x12800xi32>
    %convert_element_type3A_20 = arith.sitofp %convert_element_type3A_19 : vector<128x12800xi32> to vector<128x12800xf32>
    %convert_element_type3A_21 = arith.truncf %convert_element_type3A_20 : vector<128x12800xf32> to vector<128x12800xbf16>
    %get3A_22 = arith.constant 0 : index
    %get3A_23 = arith.constant 0 : index
    %get3A_24 = vector.load %arg2[%get3A_22, %get3A_23] : memref<80x128xf32, #tpu.memory_space<vmem>>, vector<80x128xf32>
    %dot_general3A = arith.constant dense<0.000000e+00> : vector<80x128xf32>
    %dot_general3A_25 = tpu.matmul %convert_element_type3A_16, %convert_element_type3A_21, %dot_general3A {dimension_numbers = #tpu.dot_dimension_numbers<[1], [1], [0], [0], [0, 0, 1, 0], [], []>, transpose_lhs_hint = false} : vector<80x12800xbf16>, vector<128x12800xbf16>, vector<80x128xf32> -> vector<80x128xf32>
    %add3A = arith.addf %get3A_24, %dot_general3A_25 : vector<80x128xf32>
    %swap3A = arith.constant 0 : index
    %swap3A_26 = arith.constant 0 : index
    %swap3A_27 = vector.load %arg2[%swap3A, %swap3A_26] : memref<80x128xf32, #tpu.memory_space<vmem>>, vector<80x128xf32>
    tpu.vector_store %arg2[%swap3A, %swap3A_26], %add3A {strides = array<i32>} : memref<80x128xf32, #tpu.memory_space<vmem>>, vector<80x128xf32>,
    return
  }
  func.func @transform_0(%arg0: i32) -> (i32, i32, i32, i32) {
    %c1_i32 = arith.constant 1 : i32
    %c0_i32 = arith.constant 0 : i32
    %c0_i32_0 = arith.constant 0 : i32
    %c0_i32_1 = arith.constant 0 : i32
    return %c1_i32, %arg0, %c0_i32, %c0_i32_0 : i32, i32, i32, i32
  }
  func.func @transform_1(%arg0: i32) -> (i32, i32) {
    %c0_i32 = arith.constant 0 : i32
    %c0_i32_0 = arith.constant 0 : i32
    %c0_i32_1 = arith.constant 0 : i32
    return %c0_i32, %c0_i32_0 : i32, i32
  }
}

module attributes {stable_mosaic.version = 14 : i64} {
  func.func @_lin_body(%arg0: i32, %arg1: memref<1000x128xf32, #tpu.memory_space<vmem>>, %arg2: memref<128x128xf32, #tpu.memory_space<vmem>>, %arg3: memref<80x128xf32, #tpu.memory_space<vmem>>, %arg4: memref<1000x128xf32, #tpu.memory_space<vmem>>, %arg5: memref<1000x1xf32, #tpu.memory_space<vmem>>) attributes {dimension_semantics = [#tpu.dimension_semantics<arbitrary>], iteration_bounds = array<i64: 10>, scalar_prefetch = 0 : i64, scratch_operands = 0 : i64, tpu.core_type = #tpu.core_type<tc>, window_params = [{transform_indices = @transform_0, window_bounds = array<i64: 1000, 128>}, {pipeline_mode = #tpu.pipeline_mode<synchronous>, transform_indices = @transform_1, window_bounds = array<i64: 128, 128>}, {pipeline_mode = #tpu.pipeline_mode<synchronous>, transform_indices = @transform_2, window_bounds = array<i64: 80, 128>}, {transform_indices = @transform_3, window_bounds = array<i64: 1000, 128>}, {transform_indices = @transform_4, window_bounds = array<i64: 1000, 1>}]} {
    %iota3A = tpu.iota {dimensions = array<i32: 0>} : vector<1000x1xi32>
    %mul3A = arith.constant 1000 : i32
    %mul3A_0 = arith.muli %arg0, %mul3A : i32
    %add3A = vector.broadcast %mul3A_0 : i32 to vector<1000x1xi32>
    %add3A_1 = arith.addi %iota3A, %add3A : vector<1000x1xi32>
    %shift_right_logical3A = arith.constant 7 : i32
    %shift_right_logical3A_2 = vector.broadcast %shift_right_logical3A : i32 to vector<1000x1xi32>
    %shift_right_logical3A_3 = arith.shrui %add3A_1, %shift_right_logical3A_2 : vector<1000x1xi32>
    %and3A = arith.constant 127 : i32
    %and3A_4 = vector.broadcast %and3A : i32 to vector<1000x1xi32>
    %and3A_5 = arith.andi %add3A_1, %and3A_4 : vector<1000x1xi32>
    %iota3A_6 = tpu.iota {dimensions = array<i32: 1>} : vector<1000x128xi32>
    %iota3A_7 = tpu.iota {dimensions = array<i32: 1>} : vector<1000x80xi32>
    %eq3A = vector.broadcast %shift_right_logical3A_3 : vector<1000x1xi32> to vector<1000x80xi32>
    %eq3A_8 = arith.cmpi eq, %eq3A, %iota3A_7 : vector<1000x80xi32>
    %convert_element_type3A = arith.extui %eq3A_8 : vector<1000x80xi1> to vector<1000x80xi32>
    %convert_element_type3A_9 = arith.sitofp %convert_element_type3A : vector<1000x80xi32> to vector<1000x80xf32>
    %convert_element_type3A_10 = arith.truncf %convert_element_type3A_9 : vector<1000x80xf32> to vector<1000x80xbf16>
    %get3A = arith.constant 0 : index
    %get3A_11 = arith.constant 0 : index
    %get3A_12 = vector.load %arg3[%get3A, %get3A_11] : memref<80x128xf32, #tpu.memory_space<vmem>>, vector<80x128xf32>
    %convert_element_type3A_13 = arith.truncf %get3A_12 : vector<80x128xf32> to vector<80x128xbf16>
    %dot_general3A = arith.constant dense<0.000000e+00> : vector<1000x128xf32>
    %dot_general3A_14 = tpu.matmul %convert_element_type3A_10, %convert_element_type3A_13, %dot_general3A {dimension_numbers = #tpu.dot_dimension_numbers<[1], [0], [0], [1], [0, 0, 1, 1], [], []>, transpose_lhs_hint = false} : vector<1000x80xbf16>, vector<80x128xbf16>, vector<1000x128xf32> -> vector<1000x128xf32>
    %eq3A_15 = vector.broadcast %and3A_5 : vector<1000x1xi32> to vector<1000x128xi32>
    %eq3A_16 = arith.cmpi eq, %eq3A_15, %iota3A_6 : vector<1000x128xi32>
    %jit3A = arith.constant 0.000000e+00 : f32
    %broadcast_in_dim3A = vector.broadcast %jit3A : f32 to vector<1000x128xf32>
    %select_n3A = arith.select %eq3A_16, %dot_general3A_14, %broadcast_in_dim3A : vector<1000x128xi1>, vector<1000x128xf32>
    %reduce_sum3A = arith.constant dense<0.000000e+00> : vector<1000xf32>
    %reduce_sum3A_17 = vector.multi_reduction <add>, %select_n3A, %reduce_sum3A [1] : vector<1000x128xf32> to vector<1000xf32>
    %broadcast_in_dim3A_18 = vector.shape_cast %reduce_sum3A_17 : vector<1000xf32> to vector<1000x1xf32>
    %add3A_19 = arith.constant 1.000000e+00 : f32
    %add3A_20 = vector.broadcast %add3A_19 : f32 to vector<1000x1xf32>
    %add3A_21 = arith.addf %broadcast_in_dim3A_18, %add3A_20 : vector<1000x1xf32>
    %rsqrt3A = math.rsqrt %add3A_21 : vector<1000x1xf32>
    %get3A_22 = arith.constant 0 : index
    %get3A_23 = arith.constant 0 : index
    %get3A_24 = vector.load %arg1[%get3A_22, %get3A_23] : memref<1000x128xf32, #tpu.memory_space<vmem>>, vector<1000x128xf32>
    %get3A_25 = arith.constant 0 : index
    %get3A_26 = arith.constant 0 : index
    %get3A_27 = vector.load %arg2[%get3A_25, %get3A_26] : memref<128x128xf32, #tpu.memory_space<vmem>>, vector<128x128xf32>
    %dot_general3A_28 = arith.constant dense<0.000000e+00> : vector<1000x128xf32>
    %dot_general3A_29 = tpu.matmul %get3A_24, %get3A_27, %dot_general3A_28 {dimension_numbers = #tpu.dot_dimension_numbers<[1], [0], [0], [1], [0, 0, 1, 1], [], []>, transpose_lhs_hint = false} : vector<1000x128xf32>, vector<128x128xf32>, vector<1000x128xf32> -> vector<1000x128xf32>
    %mul3A_30 = vector.broadcast %rsqrt3A : vector<1000x1xf32> to vector<1000x128xf32>
    %mul3A_31 = arith.mulf %dot_general3A_29, %mul3A_30 : vector<1000x128xf32>
    %swap3A = arith.constant 0 : index
    %swap3A_32 = arith.constant 0 : index
    %swap3A_33 = vector.load %arg4[%swap3A, %swap3A_32] : memref<1000x128xf32, #tpu.memory_space<vmem>>, vector<1000x128xf32>
    tpu.vector_store %arg4[%swap3A, %swap3A_32], %mul3A_31 {strides = array<i32>} : memref<1000x128xf32, #tpu.memory_space<vmem>>, vector<1000x128xf32>,
    %swap3A_34 = arith.constant 0 : index
    %swap3A_35 = arith.constant 0 : index
    %swap3A_36 = vector.load %arg5[%swap3A_34, %swap3A_35] : memref<1000x1xf32, #tpu.memory_space<vmem>>, vector<1000x1xf32>
    tpu.vector_store %arg5[%swap3A_34, %swap3A_35], %rsqrt3A {strides = array<i32>} : memref<1000x1xf32, #tpu.memory_space<vmem>>, vector<1000x1xf32>,
    return
  }
  func.func @transform_0(%arg0: i32) -> (i32, i32) {
    %c0_i32 = arith.constant 0 : i32
    %c0_i32_0 = arith.constant 0 : i32
    return %arg0, %c0_i32 : i32, i32
  }
  func.func @transform_1(%arg0: i32) -> (i32, i32) {
    %c0_i32 = arith.constant 0 : i32
    %c0_i32_0 = arith.constant 0 : i32
    %c0_i32_1 = arith.constant 0 : i32
    return %c0_i32, %c0_i32_0 : i32, i32
  }
  func.func @transform_2(%arg0: i32) -> (i32, i32) {
    %c0_i32 = arith.constant 0 : i32
    %c0_i32_0 = arith.constant 0 : i32
    %c0_i32_1 = arith.constant 0 : i32
    return %c0_i32, %c0_i32_0 : i32, i32
  }
  func.func @transform_3(%arg0: i32) -> (i32, i32) {
    %c0_i32 = arith.constant 0 : i32
    %c0_i32_0 = arith.constant 0 : i32
    return %arg0, %c0_i32 : i32, i32
  }
  func.func @transform_4(%arg0: i32) -> (i32, i32) {
    %c0_i32 = arith.constant 0 : i32
    %c0_i32_0 = arith.constant 0 : i32
    return %arg0, %c0_i32 : i32, i32
  }
}

module attributes {stable_mosaic.version = 14 : i64} {
  func.func @_fin_body(%arg0: i32, %arg1: memref<2x1000x128xf32, #tpu.memory_space<vmem>>, %arg2: memref<1000x128xf32, #tpu.memory_space<vmem>>, %arg3: memref<1000x1xf32, #tpu.memory_space<vmem>>, %arg4: memref<1x128xf32, #tpu.memory_space<vmem>>, %arg5: memref<1000x128xf32, #tpu.memory_space<vmem>>) attributes {dimension_semantics = [#tpu.dimension_semantics<arbitrary>], iteration_bounds = array<i64: 10>, scalar_prefetch = 0 : i64, scratch_operands = 0 : i64, tpu.core_type = #tpu.core_type<tc>, window_params = [{transform_indices = @transform_0, window_bounds = array<i64: 2, 1000, 128>}, {transform_indices = @transform_1, window_bounds = array<i64: 1000, 128>}, {transform_indices = @transform_2, window_bounds = array<i64: 1000, 1>}, {pipeline_mode = #tpu.pipeline_mode<synchronous>, transform_indices = @transform_3, window_bounds = array<i64: 1, 128>}, {transform_indices = @transform_4, window_bounds = array<i64: 1000, 128>}]} {
    %get3A = arith.constant 0 : index
    %get3A_0 = arith.constant 0 : index
    %get3A_1 = arith.constant 0 : index
    %get3A_2 = vector.load %arg1[%get3A, %get3A_0, %get3A_1] : memref<2x1000x128xf32, #tpu.memory_space<vmem>>, vector<1x1000x128xf32>
    %get3A_3 = vector.shape_cast %get3A_2 : vector<1x1000x128xf32> to vector<1000x128xf32>
    %get3A_4 = arith.constant 1 : index
    %get3A_5 = arith.constant 0 : index
    %get3A_6 = arith.constant 0 : index
    %get3A_7 = vector.load %arg1[%get3A_4, %get3A_5, %get3A_6] : memref<2x1000x128xf32, #tpu.memory_space<vmem>>, vector<1x1000x128xf32>
    %get3A_8 = vector.shape_cast %get3A_7 : vector<1x1000x128xf32> to vector<1000x128xf32>
    %add3A = arith.addf %get3A_3, %get3A_8 : vector<1000x128xf32>
    %get3A_9 = arith.constant 0 : index
    %get3A_10 = arith.constant 0 : index
    %get3A_11 = vector.load %arg2[%get3A_9, %get3A_10] : memref<1000x128xf32, #tpu.memory_space<vmem>>, vector<1000x128xf32>
    %add3A_12 = arith.addf %add3A, %get3A_11 : vector<1000x128xf32>
    %get3A_13 = arith.constant 0 : index
    %get3A_14 = arith.constant 0 : index
    %get3A_15 = vector.load %arg3[%get3A_13, %get3A_14] : memref<1000x1xf32, #tpu.memory_space<vmem>>, vector<1000x1xf32>
    %mul3A = vector.broadcast %get3A_15 : vector<1000x1xf32> to vector<1000x128xf32>
    %mul3A_16 = arith.mulf %mul3A, %add3A_12 : vector<1000x128xf32>
    %get3A_17 = arith.constant 0 : index
    %get3A_18 = arith.constant 0 : index
    %get3A_19 = vector.load %arg4[%get3A_17, %get3A_18] : memref<1x128xf32, #tpu.memory_space<vmem>>, vector<1x128xf32>
    %add3A_20 = vector.broadcast %get3A_19 : vector<1x128xf32> to vector<1000x128xf32>
    %add3A_21 = arith.addf %mul3A_16, %add3A_20 : vector<1000x128xf32>
    %max3A = arith.constant 0.000000e+00 : f32
    %max3A_22 = vector.broadcast %max3A : f32 to vector<1000x128xf32>
    %max3A_23 = arith.maximumf %add3A_21, %max3A_22 : vector<1000x128xf32>
    %swap3A = arith.constant 0 : index
    %swap3A_24 = arith.constant 0 : index
    %swap3A_25 = vector.load %arg5[%swap3A, %swap3A_24] : memref<1000x128xf32, #tpu.memory_space<vmem>>, vector<1000x128xf32>
    tpu.vector_store %arg5[%swap3A, %swap3A_24], %max3A_23 {strides = array<i32>} : memref<1000x128xf32, #tpu.memory_space<vmem>>, vector<1000x128xf32>,
    return
  }
  func.func @transform_0(%arg0: i32) -> (i32, i32, i32) {
    %c0_i32 = arith.constant 0 : i32
    %c0_i32_0 = arith.constant 0 : i32
    %c0_i32_1 = arith.constant 0 : i32
    return %c0_i32, %arg0, %c0_i32_0 : i32, i32, i32
  }
  func.func @transform_1(%arg0: i32) -> (i32, i32) {
    %c0_i32 = arith.constant 0 : i32
    %c0_i32_0 = arith.constant 0 : i32
    return %arg0, %c0_i32 : i32, i32
  }
  func.func @transform_2(%arg0: i32) -> (i32, i32) {
    %c0_i32 = arith.constant 0 : i32
    %c0_i32_0 = arith.constant 0 : i32
    return %arg0, %c0_i32 : i32, i32
  }
  func.func @transform_3(%arg0: i32) -> (i32, i32) {
    %c0_i32 = arith.constant 0 : i32
    %c0_i32_0 = arith.constant 0 : i32
    %c0_i32_1 = arith.constant 0 : i32
    return %c0_i32, %c0_i32_0 : i32, i32
  }
  func.func @transform_4(%arg0: i32) -> (i32, i32) {
    %c0_i32 = arith.constant 0 : i32
    %c0_i32_0 = arith.constant 0 : i32
    return %arg0, %c0_i32 : i32, i32
  }
}

</mosaic_0001>

<sc_bundles>
// kernel: kernel.6.cloned.1.call-start
scs
__scs_entry_jumppad:
0x0: {  	(pc) =	sbr.rel $0x88, $3  }
0x1: {  	(tag) =	ssettag $0x0;
	lr =	simm.s32 $0x1  }
0x2: {  	[smem:$0x3F9D] =	sst lr;
	_ =	strace $0xD0000000  }
0x3: {  	_ = 	snop  }
0x4: {  	_ = 	snop  }
0x5: {  	_ = 	snop  }
0x6: {  	_ = 	snop  }
0x7: {  	_ = 	snop  }
__scs_overlays_trampoline_lowered:
0x8: {  	[smem:$0x3FAC] =	sst s0  }
0x9: {  	[smem:$0x3FAD] =	sst s1  }
0xa: {  	[smem:$0x3FAE] =	sst s2  }
0xb: {  	[smem:$0x3FAF] =	sst s3  }
0xc: {  	[smem:$0x3FB0] =	sst s4  }
0xd: {  	[smem:$0x3FB1] =	sst s5  }
0xe: {  	[smem:$0x3FB2] =	sst s6  }
0xf: {  	[smem:$0x3FB3] =	sst s7  }
0x10: {  	[smem:$0x3FB4] =	sst s8  }
0x11: {  	[smem:$0x3FB5] =	sst s9;
	s0 =	simm.s32 @!p0 $0x0  }
0x12: {  	s1 =	sld [smem:$0x3F9B];
	s0 =	simm.s32 @p0 $0x1  }
0x13: {  	[smem:$0x3FB6] =	sst s0;
	s0 =	simm.s32 @!p1 $0x0  }
0x14: {  	s2 =	sld [smem:$0x3F9A];
	s0 =	simm.s32 @p1 $0x1  }
0x15: {  	[smem:$0x3FB7] =	sst s0;
	s0 =	simm.s32 @!p2 $0x0  }
0x16: {  	s3 =	sld [smem:$0x3FDB];
	s0 =	simm.s32 @p2 $0x1  }
0x17: {  	s4 =	simm.s32 $0x1BF5;
	[smem:$0x3FB9] =	sst s0  }
0x18: {  	s0 =	sld [smem:$0x3F9C];
	_ =	swait.ge [sflag:s4], $0x0  }
0x19: {  	s7 =	sld [smem:$0x3F9D]  }
0x1a: {  	s8 =	sadd.s32 $0xFFFFE003, lr  }
0x1b: {  	s9 =	sadd.s32 $0xFFFFFEF7, lr;
	s5 =	simm.s32 $0xFFFFFFFF;
	p2 =	slt.u32 s8, $0xFFFFF086  }
0x1c: {  	p1 =	slt.u32 s9, $0xF7A;
	s5 =	simm.s32 @!p2 $0x0  }
0x1d: {  	s5 =	simm.s32 @p1 $0x1;
	p0 =	seq.s32 s7, s2  }
0x1e: {  	s7 =	smul.u32 @!p0 $0xF7A, s2;
	p2 =	seq.s32 @!p0 s5, $0x0  }
0x1f: {  	s9 =	smul.u32 $0xF7A, s1;
	s8 =	simm.s32 @!p0 $0x1BF5;
	p2 =	por !p2, p0  }
0x20: {  	[sflag:s8] =	ssyncset.s32 @!p0 $0xFFFFF086;
	s6 =	sadd.s32 @!p0 s3, s7;
	s7 =	simm.s32 @!p0 $0x108  }
0x21: {  	s3 =	sadd.s32 s3, s9;
	s6 =	sadd.s32 @!p0 $0x88, s6;
	s7 =	simm.s32 @p2 $0x1082  }
0x22: {  	[simem:s7], [sflag:s8] =	dma.local @!p0 [hbm:s6], $0xF7A  }
0x23: {  	s9 =	sor.u32 $0xD0000000, s2;
	s6 =	simm.s32 $0x108;
	_ =	swait.ge @!p0 [sflag:s8], $0x0  }
0x24: {  	s3 =	sadd.s32 $0x88, s3;
	s6 =	simm.s32 @!p1 $0x1082;
	[sflag:s4] =	ssyncset.s32 $0xFFFFF086  }
0x25: {  	[simem:s6], [sflag:s4] =	dma.local [hbm:s3], $0xF7A  }
0x26: {  	[smem:$0x3F9D] =	sst s1;
	(tag) =	ssettag s2;
	_ =	strace s9  }
0x27: {  	s1 =	sld [smem:$0x3FAD]  }
0x28: {  	s2 =	sld [smem:$0x3FAE]  }
0x29: {  	s4 =	sld [smem:$0x3FB0]  }
0x2a: {  	p0 =	seq.s32 s5, $0x0;
	s5 =	sld [smem:$0x3FB1]  }
0x2b: {  	s6 =	sld [smem:$0x3FB2]  }
0x2c: {  	s7 =	sld [smem:$0x3FB3]  }
0x2d: {  	s3 =	simm.s32 $0x108;
	s8 =	sld [smem:$0x3FB4]  }
0x2e: {  	s3 =	simm.s32 @!p0 $0x1082;
	s9 =	sld [smem:$0x3FB5]  }
0x2f: {  	lr =	sadd.s32 s0, s3;
	s0 =	sld [smem:$0x3FAC]  }
0x30: {  	s3 =	sld [smem:$0x3FAF]  }
0x31: {  	[smem:$0x3FB8] =	sst s10  }
0x32: {  	s10 =	sld [smem:$0x3FB6];
	_ =	sdelay $0x3  }
0x33: {  	p0 =	seq.s32 s10, $0x1;
	s10 =	sld [smem:$0x3FB8];
	_ =	sdelay $0x3  }
0x34: {  	[smem:$0x3FB8] =	sst s10  }
0x35: {  	s10 =	sld [smem:$0x3FB7];
	_ =	sdelay $0x3  }
0x36: {  	p1 =	seq.s32 s10, $0x1;
	s10 =	sld [smem:$0x3FB8];
	_ =	sdelay $0x3  }
0x37: {  	[smem:$0x3FB8] =	sst s10  }
0x38: {  	s10 =	sld [smem:$0x3FB9]  }
0x39: {  	_ = 	snop;
	(pc) =	sbr.ind lr, $3  }
0x3a: {  	_ = 	snop  }
0x3b: {  	_ = 	snop  }
0x3c: {  	p2 =	seq.s32 s10, $0x1;
	s10 =	sld [smem:$0x3FB8]  }
0x3d: {  	_ =	shalt  }
0x3e: {  	_ =	shalt  }
0x3f: {  	_ =	shalt  }
0x40: {  	_ =	shalt  }
0x41: {  	_ =	shalt  }
0x42: {  	_ =	shalt  }
0x43: {  	_ =	shalt  }
0x44: {  	_ =	shalt  }
0x45: {  	_ =	shalt  }
0x46: {  	_ =	shalt  }
0x47: {  	_ =	shalt  }
0x48: {  	_ =	shalt  }
0x49: {  	_ =	shalt  }
0x4a: {  	_ =	shalt  }
0x4b: {  	_ =	shalt  }
0x4c: {  	_ =	shalt  }
0x4d: {  	_ =	shalt  }
0x4e: {  	_ =	shalt  }
0x4f: {  	_ =	shalt  }
0x50: {  	_ =	shalt  }
0x51: {  	_ =	shalt  }
0x52: {  	_ =	shalt  }
0x53: {  	_ =	shalt  }
0x54: {  	_ =	shalt  }
0x55: {  	_ =	shalt  }
0x56: {  	_ =	shalt  }
0x57: {  	_ =	shalt  }
0x58: {  	_ =	shalt  }
0x59: {  	_ =	shalt  }
0x5a: {  	_ =	shalt  }
0x5b: {  	_ =	shalt  }
0x5c: {  	_ =	shalt  }
0x5d: {  	_ =	shalt  }
0x5e: {  	_ =	shalt  }
0x5f: {  	_ =	shalt  }
0x60: {  	_ =	shalt  }
0x61: {  	_ =	shalt  }
0x62: {  	_ =	shalt  }
0x63: {  	_ =	shalt  }
0x64: {  	_ =	shalt  }
0x65: {  	_ =	shalt  }
0x66: {  	_ =	shalt  }
0x67: {  	_ =	shalt  }
0x68: {  	_ =	shalt  }
0x69: {  	_ =	shalt  }
0x6a: {  	_ =	shalt  }
0x6b: {  	_ =	shalt  }
0x6c: {  	_ =	shalt  }
0x6d: {  	_ =	shalt  }
0x6e: {  	_ =	shalt  }
0x6f: {  	_ =	shalt  }
0x70: {  	_ =	shalt  }
0x71: {  	_ =	shalt  }
0x72: {  	_ =	shalt  }
0x73: {  	_ =	shalt  }
0x74: {  	_ =	shalt  }
0x75: {  	_ =	shalt  }
0x76: {  	_ =	shalt  }
0x77: {  	_ =	shalt  }
0x78: {  	_ =	shalt  }
0x79: {  	_ =	shalt  }
0x7a: {  	_ =	shalt  }
0x7b: {  	_ =	shalt  }
0x7c: {  	_ =	shalt  }
0x7d: {  	_ =	shalt  }
0x7e: {  	_ =	shalt  }
0x7f: {  	_ =	shalt  }
0x80: {  	_ =	shalt  }
0x81: {  	_ =	shalt  }
0x82: {  	_ =	shalt  }
0x83: {  	_ =	shalt  }
0x84: {  	_ =	shalt  }
0x85: {  	_ =	shalt  }
0x86: {  	_ =	shalt  }
0x87: {  	_ =	shalt  }
.Lfunc_end0:
.L_simem_size_0:
called_computation_lowered:
.L_overlay_start_0:
0x88: {  	s2 =	sld [smem:$0x3FD9]  }
0x89: {  	s3 =	sld [smem:$0x3FFE];
	_ =	sdelay $0x1  }
0x8a: {  	s1 =	srdreg.scid  }
0x8b: {  	s0 =	sand.u32 $0x1, s1  }
0x8c: {  	s17 =	sshll.u32 s0, $0xA;
	s2 =	sadd.s32 s3, s2  }
0x8d: {  	s2 =	sadd.s32 s2, s17  }
0x8e: {  	[smem:$0x3FC4] =	sst s2  }
0x8f: {  	_ = 	snop  }
0x90: {  	s2 =	sld [smem:$0x3FD0];
	(tm) =	ssettm $0x1  }
0x91: {  	s18 =	sld [smem:$0x3FFB];
	_ =	sdelay $0x3  }
0x92: {  	_ =	strace s18  }
0x93: {  	s3 =	sld [smem:$0x3FFC];
	_ =	sdelay $0x3  }
0x94: {  	_ =	strace s3  }
0x95: {  	s3 =	sld [smem:$0x3FFD];
	_ =	sdelay $0x3  }
0x96: {  	_ =	strace s3  }
0x97: {  	_ =	strace $0x8FFFFFFF  }
0x98: {  	s19 =	sld [smem:$0x3FDB];
	_ =	sdelay $0x1  }
0x99: {  	s4 =	simm.s32 $_scs_section_size  }
0x9a: {  	s5 =	simm.s32 $_size__tile_overlayer_lowered;
	s6 =	simm.s32 $_tile_overlayer_lowered  }
0x9b: {  	s22 =	simm.s32 $0x1BFF;
	s21 =	sshll.u32 s6, $0x1;
	s3 =	sadd.s32 s4, s19  }
0x9c: {  	s7 =	simm.s32 $0x0;
	s20 =	sshll.u32 s5, $0x1;
	s5 =	sadd.s32 s21, s3  }
0x9d: {  	[timem:s7], [sflag:s22] =	dma.local [hbm:s5], s20  }
0x9e: {  	_ =	swait.ge [sflag:s22], s20  }
0x9f: {  	s4 =	ssub.s32 $0x0, s20;
	[sflag:s22] =	ssyncset.done $0x0  }
0xa0: {  	[sflag:s22] =	ssyncadd.s32 s4;
	_ =	sdelay $0x1  }
0xa1: {  	s23 =	simm.s32 $0x1B8B  }
0xa2: {  	_ =	swait.ge [sflag:s23], $0x1  }
0xa3: {  	[sflag:s23] =	ssyncset.done $0x0  }
0xa4: {  	s25 =	simm.s32 $0x1B8E;
	s24 =	sld [smem:$0x3FFE];
	[sflag:s23] =	ssyncadd.s32 $0xFFFFFFFF  }
0xa5: {  	s26 =	simm.s32 $execute0_lowered;
	[smem:$0x3FD2] =	sst s25  }
0xa6: {  	s5 =	sshll.u32 s26, $0x1;
	_ =	strace $0x80000046;
	[dreg:$0x1] =	wrdreg $0xFFFFFFFF  }
0xa7: {  	s28 =	simm.s32 $_size_execute0_lowered;
	s3 =	sadd.s32 s3, s5;
	[dreg:$0x0] =	wrdreg $0x0  }
0xa8: {  	s5 =	sshll.u32 s28, $0x1;
	[dreg:$0x2] =	wrdreg s3  }
0xa9: {  	[dreg:$0x3] =	wrdreg s5  }
0xaa: {  	[dreg:$0x4] =	wrdreg $0xC0  }
0xab: {  	_ =	task [dreg:s7], $0x5FFFF  }
0xac: {  	[dreg:$0x1] =	wrdreg $0xFFFFFFFF  }
0xad: {  	[dreg:$0x0] =	wrdreg $0x60  }
0xae: {  	[dreg:$0x2] =	wrdreg s2  }
0xaf: {  	[dreg:$0x3] =	wrdreg s24  }
0xb0: {  	[dreg:$0x4] =	wrdreg $0x98000  }
0xb1: {  	[dreg:$0x5] =	wrdreg $0x9  }
0xb2: {  	_ =	task.clear_ibuf [dreg:s7], $0x6FFFF;
	_ =	strace $0x90000046  }
0xb3: {  	s29 =	simm.s32 $0x9;
	_ =	strace $0x80000048  }
0xb4: {  	_ =	swait.ge [sflag:s29], $0x1  }
0xb5: {  	[sflag:s29] =	ssyncadd.s32 $0xFFFFFFFF  }
0xb6: {  	_ =	strace $0x90000048  }
0xb7: {  	_ =	sfence  }
0xb8: {  	s30 =	sld [smem:$0x0];
	_ =	sdelay $0x2  }
0xb9: {  	s31 =	sshll.u32 s1, $0xD;
	s1 =	sshrl.u32 s1, $0x2  }
0xba: {  	s3 =	sand.u32 $0x4000, s31;
	s1 =	sadd.s32 s1, s30  }
0xbb: {  	s0 =	sor.u32 s3, s0;
	s1 =	sshll.u32 s1, $0x11  }
0xbc: {  	s0 =	sor.u32 s1, s0  }
0xbd: {  	s0 =	sadd.s32 $0x8F2B, s0  }
0xbe: {  	[sflag:s0] =	ssyncadd.remote.s32 $0x1  }
0xbf: {  	_ =	sfence.sel $0xFFFF  }
0xc0: {  	[dreg:$0x0] =	wrdreg $0xFFFFFFFF;
	(pc) =	sbr.abs _section_cstart, $3  }
0xc1: {  	[dreg:$0x1] =	wrdreg $0xFFFFFFFF  }
0xc2: {  	_ =	task.clear_ibuf [dreg:s7], $0x2FFFF;
	_ =	strace $0x9FFFFFFF  }
0xc3: {  	(tm) =	ssettm $0x7FFFFFFF  }
tec
execute0_lowered:
.L_overlay_start_1:
0x0: {  	(tag) =	ssettag $0x1  }
0x1: {  	s0 =	srdreg.scid;
	s8 =	stileid.u32  }
0x2: {  	s0 =	sand.u32 $0x1, s0;
	s4 =	smul.u32 $0x5000, s8  }
0x3: {  	s2 =	rddreg [dreg:$0x0];
	s1 =	smul.u32 $0x50000, s0  }
0x4: {  	s5 =	rddreg [dreg:$0x1]  }
0x5: {  	s3 =	rddreg [dreg:$0x2];
	s1 =	sadd.s32 s4, s1;
	s4 =	simm.s32 $0x0  }
0x6: {  	s26 =	simm.s32 $0x80;
	[smem:$0x7FF] =	sst s4  }
0x7: {  	s9 =	simm.s32 $0x1080;
	_ =	strace $0x80000047;
	[dreg:$0x6] =	wrdreg s26  }
0x8: {  	s10 =	simm.s32 $0x200;
	[dreg:$0x9] =	wrdreg s9  }
0x9: {  	s11 =	simm.s32 $0x1100;
	[dreg:$0xa] =	wrdreg s10  }
0xa: {  	s12 =	simm.s32 $0x280;
	[dreg:$0xb] =	wrdreg s11  }
0xb: {  	s13 =	simm.s32 $0x1180;
	[dreg:$0xc] =	wrdreg s12  }
0xc: {  	s15 =	simm.s32 $0x300;
	[dreg:$0xd] =	wrdreg s13  }
0xd: {  	s17 =	simm.s32 $0x1200;
	s18 =	simm.s32 $0x380;
	[dreg:$0xe] =	wrdreg s15  }
0xe: {  	s19 =	simm.s32 $0x1280;
	s20 =	simm.s32 $0x400;
	[dreg:$0xf] =	wrdreg s17  }
0xf: {  	s21 =	simm.s32 $0x1300;
	s22 =	simm.s32 $0x480;
	[dreg:$0x10] =	wrdreg s18  }
0x10: {  	s24 =	simm.s32 $0x1380;
	s28 =	simm.s32 $0x1A00;
	[dreg:$0x11] =	wrdreg s19  }
0x11: {  	s14 =	smul.u32 $0x140000, s0;
	s0 =	ssub.s32 $0x2, s0;
	[dreg:$0x12] =	wrdreg s20  }
0x12: {  	s29 =	simm.s32 $0xB80;
	s23 =	sshrl.u32 s0, $0x1;
	[dreg:$0x13] =	wrdreg s21  }
0x13: {  	s7 =	sadd.s32 $0x1A00, s5;
	s0 =	ssub.s32 s0, s23;
	[dreg:$0x14] =	wrdreg s22  }
0x14: {  	s23 =	simm.s32 $0x1700;
	s0 =	smax.u32 s0, $0x1;
	[dreg:$0x15] =	wrdreg s24  }
0x15: {  	s6 =	sadd.s32 $0xA0000, s1;
	s1 =	sshrl.u32 s1, $0x3;
	[smem:$0x7F4] =	sst s0  }
0x16: {  	s30 =	simm.s32 $0x1A80;
	s1 =	sadd.s32 s1, s7;
	[smem:$0x7F8] =	sst s23  }
0x17: {  	s31 =	simm.s32 $0xC00;
	s9 =	sadd.s32 $0x29A00, s5;
	[dreg:$0x5] =	wrdreg s1  }
0x18: {  	s16 =	smul.u32 $0x14000, s8;
	s26 =	simm.s32 $0x500;
	[smem:$0x7F2] =	sst s9  }
0x19: {  	s25 =	smul.u32 $0x50000, s8;
	s11 =	simm.s32 $0x580;
	[dreg:$0x16] =	wrdreg s26  }
0x1a: {  	s6 =	sshrl.u32 s6, $0x3;
	s12 =	simm.s32 $0x1480;
	[dreg:$0x18] =	wrdreg s11  }
0x1b: {  	s10 =	sshrl.u32 s25, $0x2;
	s15 =	simm.s32 $0x1500;
	[dreg:$0x19] =	wrdreg s12  }
0x1c: {  	s13 =	sshll.u32 s8, $0x6;
	s17 =	simm.s32 $0x1580;
	[dreg:$0x1b] =	wrdreg s15  }
0x1d: {  	s18 =	simm.s32 $0x700;
	s19 =	simm.s32 $0x1600;
	[dreg:$0x1d] =	wrdreg s17  }
0x1e: {  	s20 =	simm.s32 $0x780;
	s21 =	simm.s32 $0x1680;
	[dreg:$0x1e] =	wrdreg s18  }
0x1f: {  	s22 =	simm.s32 $0x800;
	s24 =	simm.s32 $0x880;
	[dreg:$0x1f] =	wrdreg s19  }
0x20: {  	s25 =	simm.s32 $0x1780;
	s23 =	simm.s32 $0x1900;
	[smem:$0x7F5] =	sst s20  }
0x21: {  	s0 =	simm.s32 $0x1B80;
	s6 =	sadd.s32 s6, s7;
	[smem:$0x7F6] =	sst s21  }
0x22: {  	s7 =	simm.s32 $0x180;
	s9 =	simm.s32 $0x1400;
	[smem:$0x7F7] =	sst s22  }
0x23: {  	s11 =	simm.s32 $0x1000;
	s12 =	simm.s32 $0x50;
	[smem:$0x7F9] =	sst s24  }
0x24: {  	s15 =	simm.s32 $0x7000;
	s17 =	simm.s32 $0x2;
	[smem:$0x7FA] =	sst s25  }
0x25: {  	s26 =	simm.s32 $0x900;
	s18 =	simm.s32 $0x3;
	s19 =	simm.s32 $0x1800  }
0x26: {  	s20 =	simm.s32 $0x980;
	s21 =	simm.s32 $0x1880;
	[dreg:$0x4] =	wrdreg s6  }
0x27: {  	s22 =	simm.s32 $0xA00;
	s24 =	simm.s32 $0xA80;
	[dreg:$0x8] =	wrdreg s7  }
0x28: {  	s25 =	simm.s32 $0x1980;
	s1 =	simm.s32 $0x1B00;
	[dreg:$0x17] =	wrdreg s9  }
0x29: {  	s6 =	simm.s32 $0x100;
	s7 =	sor.u32 $0x1C04, s13;
	[smem:$0x7FB] =	sst s26  }
0x2a: {  	s13 =	simm.s32 $0x2000;
	s26 =	simm.s32 $0xB00;
	[dreg:$0x7] =	wrdreg s6  }
0x2b: {  	s6 =	sadd.s32 s16, s14;
	s14 =	simm.s32 $0x600;
	[smem:$0x7FC] =	sst s7  }
0x2c: {  	s16 =	simm.s32 $0x680;
	s6 =	sshrl.u32 s6, $0x3;
	[dreg:$0x1a] =	wrdreg s14  }
0x2d: {  	s9 =	simm.s32 $0x0;
	[dreg:$0x1c] =	wrdreg s16;
	s5 =	sadd.s32 s6, s5  }
0x2e: {  	s14 =	simm.s32 $0x4800;
	s6 =	sadd.s32 s10, s3;
	s5 =	sadd.s32 $0x2C200, s5  }
0x2f: {  	s16 =	simm.s32 $0x1;
	s8 =	sshrl.u32 s6, $0x3;
	[smem:$0x7F3] =	sst s5  }
0x30: {  	s10 =	simm.s32 $0x4;
	s5 =	simm.s32 $0x1C00;
	[smem:$0x7FD] =	sst s8  }
.LBB2_1:
0x31: {  	s6 =	sld [smem:$0x7F2];
	_ =	sdelay $0x1  }
0x32: {  	[smem:$0x7F1] =	sst s9  }
0x33: {  	[spmem:s8], [sflag:s7] =	dma.local [hbm:s6], $0x2800  }
0x34: {  	_ =	swait.ge [sflag:s10], $0x2800  }
0x35: {  	[sflag:s10] =	ssyncset.done $0x0  }
0x36: {  	[sflag:s10] =	ssyncadd.s32 $0xFFFFD800  }
0x37: {  	[bflag:$0x0] =	sbarrier.arrive $0xFFFF  }
0x38: {  	s7 =	rddreg [dreg:$0x5]  }
0x39: {  	s6 =	sadd.s32 $0x0, s7  }
0x3a: {  	[tilespmem:s4], [sflag:$0x4] =	stream.linear.gather [hbm4b:s6+s4], $0xC80, $0x38;
	[tilespmem:$0x1D800] =	vst v63  }
0x3b: {  	_ =	swait.ge [sflag:s10], $0xC80  }
0x3c: {  	s8 =	rddreg [dreg:$0x4];
	[sflag:s10] =	ssyncset.done $0x0  }
0x3d: {  	[sflag:s10] =	ssyncadd.s32 $0xFFFFF380;
	s6 =	sadd.s32 $0x0, s8  }
0x3e: {  	[tilespmem:s11], [sflag:$0x4] =	stream.linear.gather [hbm4b:s6+s4], $0xC80, $0x38;
	[tilespmem:$0x1D800] =	vst v63  }
0x3f: {  	_ =	swait.ge [sflag:s10], $0xC80  }
0x40: {  	[sflag:s10] =	ssyncset.done $0x0  }
0x41: {  	[sflag:s10] =	ssyncadd.s32 $0xFFFFF380  }
0x42: {  	[tilespmem:s13], [sflag:$0x1] =	stream.indirect.gather [hbm4b:s2+s12], $0x80, s4, s12, $0xb8;
	[tilespmem:$0x1D800] =	vst v63  }
0x43: {  	s9 =	rddreg [dreg:$0x6]  }
0x44: {  	[tilespmem:s14], [sflag:$0x2] =	stream.indirect.gather [hbm4b:s2+s12], $0x80, s9, s12, $0xb8;
	[tilespmem:$0x1D800] =	vst v63  }
0x45: {  	s7 =	rddreg [dreg:$0x7]  }
0x46: {  	[tilespmem:s15], [sflag:$0x3] =	stream.indirect.gather [hbm4b:s2+s12], $0x80, s7, s12, $0xb8;
	[tilespmem:$0x1D800] =	vst v63  }
0x47: {  	_ =	swait.ge [sflag:s16], $0x2800  }
0x48: {  	[sflag:s16] =	ssyncset.done $0x0  }
0x49: {  	[sflag:s16] =	ssyncadd.s32 $0xFFFFD800  }
0x4a: {  	[spmem:s3] =	stream.indirect.scatter.add.f32 [tilespmem:s13], [sflag:$0x4], $0x80, s11, s12, $0xb8;
	[tilespmem:$0x1D800] =	vst v63  }
0x4b: {  	_ =	swait.ge [sflag:s10], $0x2800  }
0x4c: {  	[sflag:s10] =	ssyncset.done $0x0  }
0x4d: {  	s9 =	rddreg [dreg:$0x8];
	[sflag:s10] =	ssyncadd.s32 $0xFFFFD800  }
0x4e: {  	[tilespmem:s13], [sflag:$0x1] =	stream.indirect.gather [hbm4b:s2+s12], $0x80, s9, s12, $0xb8;
	[tilespmem:$0x1D800] =	vst v63  }
0x4f: {  	_ =	swait.ge [sflag:s17], $0x2800  }
0x50: {  	[sflag:s17] =	ssyncset.done $0x0  }
0x51: {  	s7 =	rddreg [dreg:$0x9];
	[sflag:s17] =	ssyncadd.s32 $0xFFFFD800  }
0x52: {  	[spmem:s3] =	stream.indirect.scatter.add.f32 [tilespmem:s14], [sflag:$0x4], $0x80, s7, s12, $0xb8;
	[tilespmem:$0x1D800] =	vst v63  }
0x53: {  	_ =	swait.ge [sflag:s10], $0x2800  }
0x54: {  	[sflag:s10] =	ssyncset.done $0x0  }
0x55: {  	s8 =	rddreg [dreg:$0xa];
	[sflag:s10] =	ssyncadd.s32 $0xFFFFD800  }
0x56: {  	[tilespmem:s14], [sflag:$0x2] =	stream.indirect.gather [hbm4b:s2+s12], $0x80, s8, s12, $0xb8;
	[tilespmem:$0x1D800] =	vst v63  }
0x57: {  	_ =	swait.ge [sflag:s18], $0x2800  }
0x58: {  	[sflag:s18] =	ssyncset.done $0x0  }
0x59: {  	s9 =	rddreg [dreg:$0xb];
	[sflag:s18] =	ssyncadd.s32 $0xFFFFD800  }
0x5a: {  	[spmem:s3] =	stream.indirect.scatter.add.f32 [tilespmem:s15], [sflag:$0x4], $0x80, s9, s12, $0xb8;
	[tilespmem:$0x1D800] =	vst v63  }
0x5b: {  	_ =	swait.ge [sflag:s10], $0x2800  }
0x5c: {  	[sflag:s10] =	ssyncset.done $0x0  }
0x5d: {  	s7 =	rddreg [dreg:$0xc];
	[sflag:s10] =	ssyncadd.s32 $0xFFFFD800  }
0x5e: {  	[tilespmem:s15], [sflag:$0x3] =	stream.indirect.gather [hbm4b:s2+s12], $0x80, s7, s12, $0xb8;
	[tilespmem:$0x1D800] =	vst v63  }
0x5f: {  	_ =	swait.ge [sflag:s16], $0x2800  }
0x60: {  	[sflag:s16] =	ssyncset.done $0x0  }
0x61: {  	s8 =	rddreg [dreg:$0xd];
	[sflag:s16] =	ssyncadd.s32 $0xFFFFD800  }
0x62: {  	[spmem:s3] =	stream.indirect.scatter.add.f32 [tilespmem:s13], [sflag:$0x4], $0x80, s8, s12, $0xb8;
	[tilespmem:$0x1D800] =	vst v63  }
0x63: {  	_ =	swait.ge [sflag:s10], $0x2800  }
0x64: {  	[sflag:s10] =	ssyncset.done $0x0  }
0x65: {  	s9 =	rddreg [dreg:$0xe];
	[sflag:s10] =	ssyncadd.s32 $0xFFFFD800  }
0x66: {  	[tilespmem:s13], [sflag:$0x1] =	stream.indirect.gather [hbm4b:s2+s12], $0x80, s9, s12, $0xb8;
	[tilespmem:$0x1D800] =	vst v63  }
0x67: {  	_ =	swait.ge [sflag:s17], $0x2800  }
0x68: {  	[sflag:s17] =	ssyncset.done $0x0  }
0x69: {  	s7 =	rddreg [dreg:$0xf];
	[sflag:s17] =	ssyncadd.s32 $0xFFFFD800  }
0x6a: {  	[spmem:s3] =	stream.indirect.scatter.add.f32 [tilespmem:s14], [sflag:$0x4], $0x80, s7, s12, $0xb8;
	[tilespmem:$0x1D800] =	vst v63  }
0x6b: {  	_ =	swait.ge [sflag:s10], $0x2800  }
0x6c: {  	[sflag:s10] =	ssyncset.done $0x0  }
0x6d: {  	s8 =	rddreg [dreg:$0x10];
	[sflag:s10] =	ssyncadd.s32 $0xFFFFD800  }
0x6e: {  	[tilespmem:s14], [sflag:$0x2] =	stream.indirect.gather [hbm4b:s2+s12], $0x80, s8, s12, $0xb8;
	[tilespmem:$0x1D800] =	vst v63  }
0x6f: {  	_ =	swait.ge [sflag:s18], $0x2800  }
0x70: {  	[sflag:s18] =	ssyncset.done $0x0  }
0x71: {  	s9 =	rddreg [dreg:$0x11];
	[sflag:s18] =	ssyncadd.s32 $0xFFFFD800  }
0x72: {  	[spmem:s3] =	stream.indirect.scatter.add.f32 [tilespmem:s15], [sflag:$0x4], $0x80, s9, s12, $0xb8;
	[tilespmem:$0x1D800] =	vst v63  }
0x73: {  	_ =	swait.ge [sflag:s10], $0x2800  }
0x74: {  	[sflag:s10] =	ssyncset.done $0x0  }
0x75: {  	s7 =	rddreg [dreg:$0x12];
	[sflag:s10] =	ssyncadd.s32 $0xFFFFD800  }
0x76: {  	[tilespmem:s15], [sflag:$0x3] =	stream.indirect.gather [hbm4b:s2+s12], $0x80, s7, s12, $0xb8;
	[tilespmem:$0x1D800] =	vst v63  }
0x77: {  	_ =	swait.ge [sflag:s16], $0x2800  }
0x78: {  	[sflag:s16] =	ssyncset.done $0x0  }
0x79: {  	s8 =	rddreg [dreg:$0x13];
	[sflag:s16] =	ssyncadd.s32 $0xFFFFD800  }
0x7a: {  	[spmem:s3] =	stream.indirect.scatter.add.f32 [tilespmem:s13], [sflag:$0x4], $0x80, s8, s12, $0xb8;
	[tilespmem:$0x1D800] =	vst v63  }
0x7b: {  	_ =	swait.ge [sflag:s10], $0x2800  }
0x7c: {  	[sflag:s10] =	ssyncset.done $0x0  }
0x7d: {  	s9 =	rddreg [dreg:$0x14];
	[sflag:s10] =	ssyncadd.s32 $0xFFFFD800  }
0x7e: {  	[tilespmem:s13], [sflag:$0x1] =	stream.indirect.gather [hbm4b:s2+s12], $0x80, s9, s12, $0xb8;
	[tilespmem:$0x1D800] =	vst v63  }
0x7f: {  	_ =	swait.ge [sflag:s17], $0x2800  }
0x80: {  	[sflag:s17] =	ssyncset.done $0x0  }
0x81: {  	s7 =	rddreg [dreg:$0x15];
	[sflag:s17] =	ssyncadd.s32 $0xFFFFD800  }
0x82: {  	[spmem:s3] =	stream.indirect.scatter.add.f32 [tilespmem:s14], [sflag:$0x4], $0x80, s7, s12, $0xb8;
	[tilespmem:$0x1D800] =	vst v63  }
0x83: {  	_ =	swait.ge [sflag:s10], $0x2800  }
0x84: {  	[sflag:s10] =	ssyncset.done $0x0  }
0x85: {  	s8 =	rddreg [dreg:$0x16];
	[sflag:s10] =	ssyncadd.s32 $0xFFFFD800  }
0x86: {  	[tilespmem:s14], [sflag:$0x2] =	stream.indirect.gather [hbm4b:s2+s12], $0x80, s8, s12, $0xb8;
	[tilespmem:$0x1D800] =	vst v63  }
0x87: {  	_ =	swait.ge [sflag:s18], $0x2800  }
0x88: {  	[sflag:s18] =	ssyncset.done $0x0  }
0x89: {  	s9 =	rddreg [dreg:$0x17];
	[sflag:s18] =	ssyncadd.s32 $0xFFFFD800  }
0x8a: {  	[spmem:s3] =	stream.indirect.scatter.add.f32 [tilespmem:s15], [sflag:$0x4], $0x80, s9, s12, $0xb8;
	[tilespmem:$0x1D800] =	vst v63  }
0x8b: {  	_ =	swait.ge [sflag:s10], $0x2800  }
0x8c: {  	[sflag:s10] =	ssyncset.done $0x0  }
0x8d: {  	s7 =	rddreg [dreg:$0x18];
	[sflag:s10] =	ssyncadd.s32 $0xFFFFD800  }
0x8e: {  	[tilespmem:s15], [sflag:$0x3] =	stream.indirect.gather [hbm4b:s2+s12], $0x80, s7, s12, $0xb8;
	[tilespmem:$0x1D800] =	vst v63  }
0x8f: {  	_ =	swait.ge [sflag:s16], $0x2800  }
0x90: {  	[sflag:s16] =	ssyncset.done $0x0  }
0x91: {  	s8 =	rddreg [dreg:$0x19];
	[sflag:s16] =	ssyncadd.s32 $0xFFFFD800  }
0x92: {  	[spmem:s3] =	stream.indirect.scatter.add.f32 [tilespmem:s13], [sflag:$0x4], $0x80, s8, s12, $0xb8;
	[tilespmem:$0x1D800] =	vst v63  }
0x93: {  	_ =	swait.ge [sflag:s10], $0x2800  }
0x94: {  	[sflag:s10] =	ssyncset.done $0x0  }
0x95: {  	s9 =	rddreg [dreg:$0x1a];
	[sflag:s10] =	ssyncadd.s32 $0xFFFFD800  }
0x96: {  	[tilespmem:s13], [sflag:$0x1] =	stream.indirect.gather [hbm4b:s2+s12], $0x80, s9, s12, $0xb8;
	[tilespmem:$0x1D800] =	vst v63  }
0x97: {  	_ =	swait.ge [sflag:s17], $0x2800  }
0x98: {  	[sflag:s17] =	ssyncset.done $0x0  }
0x99: {  	s7 =	rddreg [dreg:$0x1b];
	[sflag:s17] =	ssyncadd.s32 $0xFFFFD800  }
0x9a: {  	[spmem:s3] =	stream.indirect.scatter.add.f32 [tilespmem:s14], [sflag:$0x4], $0x80, s7, s12, $0xb8;
	[tilespmem:$0x1D800] =	vst v63  }
0x9b: {  	_ =	swait.ge [sflag:s10], $0x2800  }
0x9c: {  	[sflag:s10] =	ssyncset.done $0x0  }
0x9d: {  	s8 =	rddreg [dreg:$0x1c];
	[sflag:s10] =	ssyncadd.s32 $0xFFFFD800  }
0x9e: {  	[tilespmem:s14], [sflag:$0x2] =	stream.indirect.gather [hbm4b:s2+s12], $0x80, s8, s12, $0xb8;
	[tilespmem:$0x1D800] =	vst v63  }
0x9f: {  	_ =	swait.ge [sflag:s18], $0x2800  }
0xa0: {  	[sflag:s18] =	ssyncset.done $0x0  }
0xa1: {  	s9 =	rddreg [dreg:$0x1d];
	[sflag:s18] =	ssyncadd.s32 $0xFFFFD800  }
0xa2: {  	[spmem:s3] =	stream.indirect.scatter.add.f32 [tilespmem:s15], [sflag:$0x4], $0x80, s9, s12, $0xb8;
	[tilespmem:$0x1D800] =	vst v63  }
0xa3: {  	_ =	swait.ge [sflag:s10], $0x2800  }
0xa4: {  	[sflag:s10] =	ssyncset.done $0x0  }
0xa5: {  	s7 =	rddreg [dreg:$0x1e];
	[sflag:s10] =	ssyncadd.s32 $0xFFFFD800  }
0xa6: {  	[tilespmem:s15], [sflag:$0x3] =	stream.indirect.gather [hbm4b:s2+s12], $0x80, s7, s12, $0xb8;
	[tilespmem:$0x1D800] =	vst v63  }
0xa7: {  	_ =	swait.ge [sflag:s16], $0x2800  }
0xa8: {  	[sflag:s16] =	ssyncset.done $0x0  }
0xa9: {  	s8 =	rddreg [dreg:$0x1f];
	[sflag:s16] =	ssyncadd.s32 $0xFFFFD800  }
0xaa: {  	[spmem:s3] =	stream.indirect.scatter.add.f32 [tilespmem:s13], [sflag:$0x4], $0x80, s8, s12, $0xb8;
	[tilespmem:$0x1D800] =	vst v63  }
0xab: {  	_ =	swait.ge [sflag:s10], $0x2800  }
0xac: {  	s9 =	sld [smem:$0x7F5]  }
0xad: {  	[sflag:s10] =	ssyncset.done $0x0  }
0xae: {  	[sflag:s10] =	ssyncadd.s32 $0xFFFFD800  }
0xaf: {  	[tilespmem:s13], [sflag:$0x1] =	stream.indirect.gather [hbm4b:s2+s12], $0x80, s9, s12, $0xb8;
	[tilespmem:$0x1D800] =	vst v63  }
0xb0: {  	_ =	swait.ge [sflag:s17], $0x2800  }
0xb1: {  	s7 =	sld [smem:$0x7F6]  }
0xb2: {  	[sflag:s17] =	ssyncset.done $0x0  }
0xb3: {  	[sflag:s17] =	ssyncadd.s32 $0xFFFFD800  }
0xb4: {  	[spmem:s3] =	stream.indirect.scatter.add.f32 [tilespmem:s14], [sflag:$0x4], $0x80, s7, s12, $0xb8;
	[tilespmem:$0x1D800] =	vst v63  }
0xb5: {  	_ =	swait.ge [sflag:s10], $0x2800  }
0xb6: {  	s8 =	sld [smem:$0x7F7]  }
0xb7: {  	[sflag:s10] =	ssyncset.done $0x0  }
0xb8: {  	[sflag:s10] =	ssyncadd.s32 $0xFFFFD800  }
0xb9: {  	[tilespmem:s14], [sflag:$0x2] =	stream.indirect.gather [hbm4b:s2+s12], $0x80, s8, s12, $0xb8;
	[tilespmem:$0x1D800] =	vst v63  }
0xba: {  	_ =	swait.ge [sflag:s18], $0x2800  }
0xbb: {  	s9 =	sld [smem:$0x7F8]  }
0xbc: {  	[sflag:s18] =	ssyncset.done $0x0  }
0xbd: {  	[sflag:s18] =	ssyncadd.s32 $0xFFFFD800  }
0xbe: {  	[spmem:s3] =	stream.indirect.scatter.add.f32 [tilespmem:s15], [sflag:$0x4], $0x80, s9, s12, $0xb8;
	[tilespmem:$0x1D800] =	vst v63  }
0xbf: {  	_ =	swait.ge [sflag:s10], $0x2800  }
0xc0: {  	s7 =	sld [smem:$0x7F9]  }
0xc1: {  	[sflag:s10] =	ssyncset.done $0x0  }
0xc2: {  	[sflag:s10] =	ssyncadd.s32 $0xFFFFD800  }
0xc3: {  	[tilespmem:s15], [sflag:$0x3] =	stream.indirect.gather [hbm4b:s2+s12], $0x80, s7, s12, $0xb8;
	[tilespmem:$0x1D800] =	vst v63  }
0xc4: {  	_ =	swait.ge [sflag:s16], $0x2800  }
0xc5: {  	s8 =	sld [smem:$0x7FA]  }
0xc6: {  	[sflag:s16] =	ssyncset.done $0x0  }
0xc7: {  	[sflag:s16] =	ssyncadd.s32 $0xFFFFD800  }
0xc8: {  	[spmem:s3] =	stream.indirect.scatter.add.f32 [tilespmem:s13], [sflag:$0x4], $0x80, s8, s12, $0xb8;
	[tilespmem:$0x1D800] =	vst v63  }
0xc9: {  	_ =	swait.ge [sflag:s10], $0x2800  }
0xca: {  	s9 =	sld [smem:$0x7FB]  }
0xcb: {  	[sflag:s10] =	ssyncset.done $0x0  }
0xcc: {  	[sflag:s10] =	ssyncadd.s32 $0xFFFFD800  }
0xcd: {  	[tilespmem:s13], [sflag:$0x1] =	stream.indirect.gather [hbm4b:s2+s12], $0x80, s9, s12, $0xb8;
	[tilespmem:$0x1D800] =	vst v63  }
0xce: {  	_ =	swait.ge [sflag:s17], $0x2800  }
0xcf: {  	[sflag:s17] =	ssyncset.done $0x0  }
0xd0: {  	[sflag:s17] =	ssyncadd.s32 $0xFFFFD800  }
0xd1: {  	[spmem:s3] =	stream.indirect.scatter.add.f32 [tilespmem:s14], [sflag:$0x4], $0x80, s19, s12, $0xb8;
	[tilespmem:$0x1D800] =	vst v63  }
0xd2: {  	_ =	swait.ge [sflag:s10], $0x2800  }
0xd3: {  	[sflag:s10] =	ssyncset.done $0x0  }
0xd4: {  	[sflag:s10] =	ssyncadd.s32 $0xFFFFD800  }
0xd5: {  	[tilespmem:s14], [sflag:$0x2] =	stream.indirect.gather [hbm4b:s2+s12], $0x80, s20, s12, $0xb8;
	[tilespmem:$0x1D800] =	vst v63  }
0xd6: {  	_ =	swait.ge [sflag:s18], $0x2800  }
0xd7: {  	[sflag:s18] =	ssyncset.done $0x0  }
0xd8: {  	[sflag:s18] =	ssyncadd.s32 $0xFFFFD800  }
0xd9: {  	[spmem:s3] =	stream.indirect.scatter.add.f32 [tilespmem:s15], [sflag:$0x4], $0x80, s21, s12, $0xb8;
	[tilespmem:$0x1D800] =	vst v63  }
0xda: {  	_ =	swait.ge [sflag:s10], $0x2800  }
0xdb: {  	[sflag:s10] =	ssyncset.done $0x0  }
0xdc: {  	[sflag:s10] =	ssyncadd.s32 $0xFFFFD800  }
0xdd: {  	[tilespmem:s15], [sflag:$0x3] =	stream.indirect.gather [hbm4b:s2+s12], $0x80, s22, s12, $0xb8;
	[tilespmem:$0x1D800] =	vst v63  }
0xde: {  	_ =	swait.ge [sflag:s16], $0x2800  }
0xdf: {  	[sflag:s16] =	ssyncset.done $0x0  }
0xe0: {  	[sflag:s16] =	ssyncadd.s32 $0xFFFFD800  }
0xe1: {  	[spmem:s3] =	stream.indirect.scatter.add.f32 [tilespmem:s13], [sflag:$0x4], $0x80, s23, s12, $0xb8;
	[tilespmem:$0x1D800] =	vst v63  }
0xe2: {  	_ =	swait.ge [sflag:s10], $0x2800  }
0xe3: {  	[sflag:s10] =	ssyncset.done $0x0  }
0xe4: {  	[sflag:s10] =	ssyncadd.s32 $0xFFFFD800  }
0xe5: {  	[tilespmem:s13], [sflag:$0x1] =	stream.indirect.gather [hbm4b:s2+s12], $0x80, s24, s12, $0xb8;
	[tilespmem:$0x1D800] =	vst v63  }
0xe6: {  	_ =	swait.ge [sflag:s17], $0x2800  }
0xe7: {  	[sflag:s17] =	ssyncset.done $0x0  }
0xe8: {  	[sflag:s17] =	ssyncadd.s32 $0xFFFFD800  }
0xe9: {  	[spmem:s3] =	stream.indirect.scatter.add.f32 [tilespmem:s14], [sflag:$0x4], $0x80, s25, s12, $0xb8;
	[tilespmem:$0x1D800] =	vst v63  }
0xea: {  	_ =	swait.ge [sflag:s10], $0x2800  }
0xeb: {  	[sflag:s10] =	ssyncset.done $0x0  }
0xec: {  	[sflag:s10] =	ssyncadd.s32 $0xFFFFD800  }
0xed: {  	[tilespmem:s14], [sflag:$0x2] =	stream.indirect.gather [hbm4b:s2+s12], $0x80, s26, s12, $0xb8;
	[tilespmem:$0x1D800] =	vst v63  }
0xee: {  	_ =	swait.ge [sflag:s18], $0x2800  }
0xef: {  	[sflag:s18] =	ssyncset.done $0x0  }
0xf0: {  	[sflag:s18] =	ssyncadd.s32 $0xFFFFD800  }
0xf1: {  	[spmem:s3] =	stream.indirect.scatter.add.f32 [tilespmem:s15], [sflag:$0x4], $0x80, s28, s12, $0xb8;
	[tilespmem:$0x1D800] =	vst v63  }
0xf2: {  	_ =	swait.ge [sflag:s10], $0x2800  }
0xf3: {  	[sflag:s10] =	ssyncset.done $0x0  }
0xf4: {  	[sflag:s10] =	ssyncadd.s32 $0xFFFFD800  }
0xf5: {  	[tilespmem:s15], [sflag:$0x3] =	stream.indirect.gather [hbm4b:s2+s12], $0x80, s29, s12, $0xb8;
	[tilespmem:$0x1D800] =	vst v63  }
0xf6: {  	_ =	swait.ge [sflag:s16], $0x2800  }
0xf7: {  	[sflag:s16] =	ssyncset.done $0x0  }
0xf8: {  	[sflag:s16] =	ssyncadd.s32 $0xFFFFD800  }
0xf9: {  	[spmem:s3] =	stream.indirect.scatter.add.f32 [tilespmem:s13], [sflag:$0x4], $0x80, s30, s12, $0xb8;
	[tilespmem:$0x1D800] =	vst v63  }
0xfa: {  	_ =	swait.ge [sflag:s10], $0x2800  }
0xfb: {  	[sflag:s10] =	ssyncset.done $0x0  }
0xfc: {  	[sflag:s10] =	ssyncadd.s32 $0xFFFFD800  }
0xfd: {  	[tilespmem:s13], [sflag:$0x1] =	stream.indirect.gather [hbm4b:s2+s12], $0x80, s31, s12, $0xb8;
	[tilespmem:$0x1D800] =	vst v63  }
0xfe: {  	_ =	swait.ge [sflag:s17], $0x2800  }
0xff: {  	[sflag:s17] =	ssyncset.done $0x0  }
0x100: {  	[sflag:s17] =	ssyncadd.s32 $0xFFFFD800  }
0x101: {  	[spmem:s3] =	stream.indirect.scatter.add.f32 [tilespmem:s14], [sflag:$0x4], $0x80, s1, s12, $0xb8;
	[tilespmem:$0x1D800] =	vst v63  }
0x102: {  	_ =	swait.ge [sflag:s10], $0x2800  }
0x103: {  	[sflag:s10] =	ssyncset.done $0x0  }
0x104: {  	[sflag:s10] =	ssyncadd.s32 $0xFFFFD800  }
0x105: {  	_ =	swait.ge [sflag:s18], $0x2800  }
0x106: {  	[sflag:s18] =	ssyncset.done $0x0  }
0x107: {  	[sflag:s18] =	ssyncadd.s32 $0xFFFFD800  }
0x108: {  	[spmem:s3] =	stream.indirect.scatter.add.f32 [tilespmem:s15], [sflag:$0x4], $0x80, s0, s12, $0xb8;
	[tilespmem:$0x1D800] =	vst v63  }
0x109: {  	_ =	swait.ge [sflag:s10], $0x2800  }
0x10a: {  	[sflag:s10] =	ssyncset.done $0x0  }
0x10b: {  	[sflag:s10] =	ssyncadd.s32 $0xFFFFD800  }
0x10c: {  	_ =	swait.ge [sflag:s16], $0x2800  }
0x10d: {  	[sflag:s16] =	ssyncset.done $0x0  }
0x10e: {  	[sflag:s16] =	ssyncadd.s32 $0xFFFFD800  }
0x10f: {  	[spmem:s3] =	stream.indirect.scatter.add.f32 [tilespmem:s13], [sflag:$0x4], $0x80, s5, s12, $0xb8;
	[tilespmem:$0x1D800] =	vst v63  }
0x110: {  	s6 =	simm.s32 $0x400;
	_ =	swait.ge [sflag:s10], $0x2800  }
0x111: {  	s8 =	simm.s32 $0x200;
	s9 =	rddreg [dreg:$0x5];
	[sflag:s10] =	ssyncset.done $0x0  }
.LBB2_2:
0x112: {  	[sflag:s10] =	ssyncadd.s32 $0xFFFFD800;
	s9 =	sadd.s32 s8, s9  }
0x113: {  	[tilespmem:s4], [sflag:$0x4] =	stream.linear.gather [hbm4b:s9+s4], $0xC80, $0x38;
	[tilespmem:$0x1D800] =	vst v63  }
0x114: {  	_ =	swait.ge [sflag:s10], $0xC80  }
0x115: {  	s9 =	rddreg [dreg:$0x4];
	[sflag:s10] =	ssyncset.done $0x0  }
0x116: {  	[sflag:s10] =	ssyncadd.s32 $0xFFFFF380;
	s9 =	sadd.s32 s8, s9  }
0x117: {  	[tilespmem:s11], [sflag:$0x4] =	stream.linear.gather [hbm4b:s9+s4], $0xC80, $0x38;
	[tilespmem:$0x1D800] =	vst v63  }
0x118: {  	_ =	swait.ge [sflag:s10], $0xC80  }
0x119: {  	[sflag:s10] =	ssyncset.done $0x0  }
0x11a: {  	s7 =	smov.u32 s6;
	[sflag:s10] =	ssyncadd.s32 $0xFFFFF380  }
0x11b: {  	[tilespmem:s13], [sflag:$0x1] =	stream.indirect.gather [hbm4b:s2+s12], $0x80, s4, s12, $0xb8;
	[tilespmem:$0x1D800] =	vst v63  }
0x11c: {  	s8 =	smov.u32 s7;
	s7 =	rddreg [dreg:$0x6]  }
0x11d: {  	[tilespmem:s14], [sflag:$0x2] =	stream.indirect.gather [hbm4b:s2+s12], $0x80, s7, s12, $0xb8;
	[tilespmem:$0x1D800] =	vst v63  }
0x11e: {  	s9 =	rddreg [dreg:$0x7]  }
0x11f: {  	[tilespmem:s15], [sflag:$0x3] =	stream.indirect.gather [hbm4b:s2+s12], $0x80, s9, s12, $0xb8;
	[tilespmem:$0x1D800] =	vst v63  }
0x120: {  	_ =	swait.ge [sflag:s16], $0x2800  }
0x121: {  	[sflag:s16] =	ssyncset.done $0x0  }
0x122: {  	[sflag:s16] =	ssyncadd.s32 $0xFFFFD800  }
0x123: {  	[spmem:s3] =	stream.indirect.scatter.add.f32 [tilespmem:s13], [sflag:$0x4], $0x80, s11, s12, $0xb8;
	[tilespmem:$0x1D800] =	vst v63  }
0x124: {  	_ =	swait.ge [sflag:s10], $0x2800  }
0x125: {  	[sflag:s10] =	ssyncset.done $0x0  }
0x126: {  	s9 =	rddreg [dreg:$0x8];
	[sflag:s10] =	ssyncadd.s32 $0xFFFFD800  }
0x127: {  	[tilespmem:s13], [sflag:$0x1] =	stream.indirect.gather [hbm4b:s2+s12], $0x80, s9, s12, $0xb8;
	[tilespmem:$0x1D800] =	vst v63  }
0x128: {  	_ =	swait.ge [sflag:s17], $0x2800  }
0x129: {  	[sflag:s17] =	ssyncset.done $0x0  }
0x12a: {  	s9 =	rddreg [dreg:$0x9];
	[sflag:s17] =	ssyncadd.s32 $0xFFFFD800  }
0x12b: {  	[spmem:s3] =	stream.indirect.scatter.add.f32 [tilespmem:s14], [sflag:$0x4], $0x80, s9, s12, $0xb8;
	[tilespmem:$0x1D800] =	vst v63  }
0x12c: {  	_ =	swait.ge [sflag:s10], $0x2800  }
0x12d: {  	[sflag:s10] =	ssyncset.done $0x0  }
0x12e: {  	s9 =	rddreg [dreg:$0xa];
	[sflag:s10] =	ssyncadd.s32 $0xFFFFD800  }
0x12f: {  	[tilespmem:s14], [sflag:$0x2] =	stream.indirect.gather [hbm4b:s2+s12], $0x80, s9, s12, $0xb8;
	[tilespmem:$0x1D800] =	vst v63  }
0x130: {  	_ =	swait.ge [sflag:s18], $0x2800  }
0x131: {  	[sflag:s18] =	ssyncset.done $0x0  }
0x132: {  	s9 =	rddreg [dreg:$0xb];
	[sflag:s18] =	ssyncadd.s32 $0xFFFFD800  }
0x133: {  	[spmem:s3] =	stream.indirect.scatter.add.f32 [tilespmem:s15], [sflag:$0x4], $0x80, s9, s12, $0xb8;
	[tilespmem:$0x1D800] =	vst v63  }
0x134: {  	_ =	swait.ge [sflag:s10], $0x2800  }
0x135: {  	[sflag:s10] =	ssyncset.done $0x0  }
0x136: {  	s9 =	rddreg [dreg:$0xc];
	[sflag:s10] =	ssyncadd.s32 $0xFFFFD800  }
0x137: {  	[tilespmem:s15], [sflag:$0x3] =	stream.indirect.gather [hbm4b:s2+s12], $0x80, s9, s12, $0xb8;
	[tilespmem:$0x1D800] =	vst v63  }
0x138: {  	_ =	swait.ge [sflag:s16], $0x2800  }
0x139: {  	[sflag:s16] =	ssyncset.done $0x0  }
0x13a: {  	s9 =	rddreg [dreg:$0xd];
	[sflag:s16] =	ssyncadd.s32 $0xFFFFD800  }
0x13b: {  	[spmem:s3] =	stream.indirect.scatter.add.f32 [tilespmem:s13], [sflag:$0x4], $0x80, s9, s12, $0xb8;
	[tilespmem:$0x1D800] =	vst v63  }
0x13c: {  	_ =	swait.ge [sflag:s10], $0x2800  }
0x13d: {  	[sflag:s10] =	ssyncset.done $0x0  }
0x13e: {  	s9 =	rddreg [dreg:$0xe];
	[sflag:s10] =	ssyncadd.s32 $0xFFFFD800  }
0x13f: {  	[tilespmem:s13], [sflag:$0x1] =	stream.indirect.gather [hbm4b:s2+s12], $0x80, s9, s12, $0xb8;
	[tilespmem:$0x1D800] =	vst v63  }
0x140: {  	_ =	swait.ge [sflag:s17], $0x2800  }
0x141: {  	[sflag:s17] =	ssyncset.done $0x0  }
0x142: {  	s9 =	rddreg [dreg:$0xf];
	[sflag:s17] =	ssyncadd.s32 $0xFFFFD800  }
0x143: {  	[spmem:s3] =	stream.indirect.scatter.add.f32 [tilespmem:s14], [sflag:$0x4], $0x80, s9, s12, $0xb8;
	[tilespmem:$0x1D800] =	vst v63  }
0x144: {  	_ =	swait.ge [sflag:s10], $0x2800  }
0x145: {  	[sflag:s10] =	ssyncset.done $0x0  }
0x146: {  	s9 =	rddreg [dreg:$0x10];
	[sflag:s10] =	ssyncadd.s32 $0xFFFFD800  }
0x147: {  	[tilespmem:s14], [sflag:$0x2] =	stream.indirect.gather [hbm4b:s2+s12], $0x80, s9, s12, $0xb8;
	[tilespmem:$0x1D800] =	vst v63  }
0x148: {  	_ =	swait.ge [sflag:s18], $0x2800  }
0x149: {  	[sflag:s18] =	ssyncset.done $0x0  }
0x14a: {  	s9 =	rddreg [dreg:$0x11];
	[sflag:s18] =	ssyncadd.s32 $0xFFFFD800  }
0x14b: {  	[spmem:s3] =	stream.indirect.scatter.add.f32 [tilespmem:s15], [sflag:$0x4], $0x80, s9, s12, $0xb8;
	[tilespmem:$0x1D800] =	vst v63  }
0x14c: {  	_ =	swait.ge [sflag:s10], $0x2800  }
0x14d: {  	[sflag:s10] =	ssyncset.done $0x0  }
0x14e: {  	s9 =	rddreg [dreg:$0x12];
	[sflag:s10] =	ssyncadd.s32 $0xFFFFD800  }
0x14f: {  	[tilespmem:s15], [sflag:$0x3] =	stream.indirect.gather [hbm4b:s2+s12], $0x80, s9, s12, $0xb8;
	[tilespmem:$0x1D800] =	vst v63  }
0x150: {  	_ =	swait.ge [sflag:s16], $0x2800  }
0x151: {  	[sflag:s16] =	ssyncset.done $0x0  }
0x152: {  	s9 =	rddreg [dreg:$0x13];
	[sflag:s16] =	ssyncadd.s32 $0xFFFFD800  }
0x153: {  	[spmem:s3] =	stream.indirect.scatter.add.f32 [tilespmem:s13], [sflag:$0x4], $0x80, s9, s12, $0xb8;
	[tilespmem:$0x1D800] =	vst v63  }
0x154: {  	_ =	swait.ge [sflag:s10], $0x2800  }
0x155: {  	[sflag:s10] =	ssyncset.done $0x0  }
0x156: {  	s9 =	rddreg [dreg:$0x14];
	[sflag:s10] =	ssyncadd.s32 $0xFFFFD800  }
0x157: {  	[tilespmem:s13], [sflag:$0x1] =	stream.indirect.gather [hbm4b:s2+s12], $0x80, s9, s12, $0xb8;
	[tilespmem:$0x1D800] =	vst v63  }
0x158: {  	_ =	swait.ge [sflag:s17], $0x2800  }
0x159: {  	[sflag:s17] =	ssyncset.done $0x0  }
0x15a: {  	s9 =	rddreg [dreg:$0x15];
	[sflag:s17] =	ssyncadd.s32 $0xFFFFD800  }
0x15b: {  	[spmem:s3] =	stream.indirect.scatter.add.f32 [tilespmem:s14], [sflag:$0x4], $0x80, s9, s12, $0xb8;
	[tilespmem:$0x1D800] =	vst v63  }
0x15c: {  	_ =	swait.ge [sflag:s10], $0x2800  }
0x15d: {  	[sflag:s10] =	ssyncset.done $0x0  }
0x15e: {  	s9 =	rddreg [dreg:$0x16];
	[sflag:s10] =	ssyncadd.s32 $0xFFFFD800  }
0x15f: {  	[tilespmem:s14], [sflag:$0x2] =	stream.indirect.gather [hbm4b:s2+s12], $0x80, s9, s12, $0xb8;
	[tilespmem:$0x1D800] =	vst v63  }
0x160: {  	_ =	swait.ge [sflag:s18], $0x2800  }
0x161: {  	[sflag:s18] =	ssyncset.done $0x0  }
0x162: {  	s9 =	rddreg [dreg:$0x17];
	[sflag:s18] =	ssyncadd.s32 $0xFFFFD800  }
0x163: {  	[spmem:s3] =	stream.indirect.scatter.add.f32 [tilespmem:s15], [sflag:$0x4], $0x80, s9, s12, $0xb8;
	[tilespmem:$0x1D800] =	vst v63  }
0x164: {  	_ =	swait.ge [sflag:s10], $0x2800  }
0x165: {  	[sflag:s10] =	ssyncset.done $0x0  }
0x166: {  	s9 =	rddreg [dreg:$0x18];
	[sflag:s10] =	ssyncadd.s32 $0xFFFFD800  }
0x167: {  	[tilespmem:s15], [sflag:$0x3] =	stream.indirect.gather [hbm4b:s2+s12], $0x80, s9, s12, $0xb8;
	[tilespmem:$0x1D800] =	vst v63  }
0x168: {  	_ =	swait.ge [sflag:s16], $0x2800  }
0x169: {  	[sflag:s16] =	ssyncset.done $0x0  }
0x16a: {  	s9 =	rddreg [dreg:$0x19];
	[sflag:s16] =	ssyncadd.s32 $0xFFFFD800  }
0x16b: {  	[spmem:s3] =	stream.indirect.scatter.add.f32 [tilespmem:s13], [sflag:$0x4], $0x80, s9, s12, $0xb8;
	[tilespmem:$0x1D800] =	vst v63  }
0x16c: {  	_ =	swait.ge [sflag:s10], $0x2800  }
0x16d: {  	[sflag:s10] =	ssyncset.done $0x0  }
0x16e: {  	s9 =	rddreg [dreg:$0x1a];
	[sflag:s10] =	ssyncadd.s32 $0xFFFFD800  }
0x16f: {  	[tilespmem:s13], [sflag:$0x1] =	stream.indirect.gather [hbm4b:s2+s12], $0x80, s9, s12, $0xb8;
	[tilespmem:$0x1D800] =	vst v63  }
0x170: {  	_ =	swait.ge [sflag:s17], $0x2800  }
0x171: {  	[sflag:s17] =	ssyncset.done $0x0  }
0x172: {  	s9 =	rddreg [dreg:$0x1b];
	[sflag:s17] =	ssyncadd.s32 $0xFFFFD800  }
0x173: {  	[spmem:s3] =	stream.indirect.scatter.add.f32 [tilespmem:s14], [sflag:$0x4], $0x80, s9, s12, $0xb8;
	[tilespmem:$0x1D800] =	vst v63  }
0x174: {  	_ =	swait.ge [sflag:s10], $0x2800  }
0x175: {  	[sflag:s10] =	ssyncset.done $0x0  }
0x176: {  	s9 =	rddreg [dreg:$0x1c];
	[sflag:s10] =	ssyncadd.s32 $0xFFFFD800  }
0x177: {  	[tilespmem:s14], [sflag:$0x2] =	stream.indirect.gather [hbm4b:s2+s12], $0x80, s9, s12, $0xb8;
	[tilespmem:$0x1D800] =	vst v63  }
0x178: {  	_ =	swait.ge [sflag:s18], $0x2800  }
0x179: {  	[sflag:s18] =	ssyncset.done $0x0  }
0x17a: {  	s9 =	rddreg [dreg:$0x1d];
	[sflag:s18] =	ssyncadd.s32 $0xFFFFD800  }
0x17b: {  	[spmem:s3] =	stream.indirect.scatter.add.f32 [tilespmem:s15], [sflag:$0x4], $0x80, s9, s12, $0xb8;
	[tilespmem:$0x1D800] =	vst v63  }
0x17c: {  	_ =	swait.ge [sflag:s10], $0x2800  }
0x17d: {  	[sflag:s10] =	ssyncset.done $0x0  }
0x17e: {  	s9 =	rddreg [dreg:$0x1e];
	[sflag:s10] =	ssyncadd.s32 $0xFFFFD800  }
0x17f: {  	[tilespmem:s15], [sflag:$0x3] =	stream.indirect.gather [hbm4b:s2+s12], $0x80, s9, s12, $0xb8;
	[tilespmem:$0x1D800] =	vst v63  }
0x180: {  	_ =	swait.ge [sflag:s16], $0x2800  }
0x181: {  	[sflag:s16] =	ssyncset.done $0x0  }
0x182: {  	s9 =	rddreg [dreg:$0x1f];
	[sflag:s16] =	ssyncadd.s32 $0xFFFFD800  }
0x183: {  	[spmem:s3] =	stream.indirect.scatter.add.f32 [tilespmem:s13], [sflag:$0x4], $0x80, s9, s12, $0xb8;
	[tilespmem:$0x1D800] =	vst v63  }
0x184: {  	_ =	swait.ge [sflag:s10], $0x2800  }
0x185: {  	s9 =	sld [smem:$0x7F5]  }
0x186: {  	[sflag:s10] =	ssyncset.done $0x0  }
0x187: {  	[sflag:s10] =	ssyncadd.s32 $0xFFFFD800  }
0x188: {  	[tilespmem:s13], [sflag:$0x1] =	stream.indirect.gather [hbm4b:s2+s12], $0x80, s9, s12, $0xb8;
	[tilespmem:$0x1D800] =	vst v63  }
0x189: {  	_ =	swait.ge [sflag:s17], $0x2800  }
0x18a: {  	s9 =	sld [smem:$0x7F6]  }
0x18b: {  	[sflag:s17] =	ssyncset.done $0x0  }
0x18c: {  	[sflag:s17] =	ssyncadd.s32 $0xFFFFD800  }
0x18d: {  	[spmem:s3] =	stream.indirect.scatter.add.f32 [tilespmem:s14], [sflag:$0x4], $0x80, s9, s12, $0xb8;
	[tilespmem:$0x1D800] =	vst v63  }
0x18e: {  	_ =	swait.ge [sflag:s10], $0x2800  }
0x18f: {  	s9 =	sld [smem:$0x7F7]  }
0x190: {  	[sflag:s10] =	ssyncset.done $0x0  }
0x191: {  	[sflag:s10] =	ssyncadd.s32 $0xFFFFD800  }
0x192: {  	[tilespmem:s14], [sflag:$0x2] =	stream.indirect.gather [hbm4b:s2+s12], $0x80, s9, s12, $0xb8;
	[tilespmem:$0x1D800] =	vst v63  }
0x193: {  	_ =	swait.ge [sflag:s18], $0x2800  }
0x194: {  	s9 =	sld [smem:$0x7F8]  }
0x195: {  	[sflag:s18] =	ssyncset.done $0x0  }
0x196: {  	[sflag:s18] =	ssyncadd.s32 $0xFFFFD800  }
0x197: {  	[spmem:s3] =	stream.indirect.scatter.add.f32 [tilespmem:s15], [sflag:$0x4], $0x80, s9, s12, $0xb8;
	[tilespmem:$0x1D800] =	vst v63  }
0x198: {  	_ =	swait.ge [sflag:s10], $0x2800  }
0x199: {  	s9 =	sld [smem:$0x7F9]  }
0x19a: {  	[sflag:s10] =	ssyncset.done $0x0  }
0x19b: {  	[sflag:s10] =	ssyncadd.s32 $0xFFFFD800  }
0x19c: {  	[tilespmem:s15], [sflag:$0x3] =	stream.indirect.gather [hbm4b:s2+s12], $0x80, s9, s12, $0xb8;
	[tilespmem:$0x1D800] =	vst v63  }
0x19d: {  	_ =	swait.ge [sflag:s16], $0x2800  }
0x19e: {  	s9 =	sld [smem:$0x7FA]  }
0x19f: {  	[sflag:s16] =	ssyncset.done $0x0  }
0x1a0: {  	[sflag:s16] =	ssyncadd.s32 $0xFFFFD800  }
0x1a1: {  	[spmem:s3] =	stream.indirect.scatter.add.f32 [tilespmem:s13], [sflag:$0x4], $0x80, s9, s12, $0xb8;
	[tilespmem:$0x1D800] =	vst v63  }
0x1a2: {  	_ =	swait.ge [sflag:s10], $0x2800  }
0x1a3: {  	s9 =	sld [smem:$0x7FB]  }
0x1a4: {  	[sflag:s10] =	ssyncset.done $0x0  }
0x1a5: {  	[sflag:s10] =	ssyncadd.s32 $0xFFFFD800  }
0x1a6: {  	[tilespmem:s13], [sflag:$0x1] =	stream.indirect.gather [hbm4b:s2+s12], $0x80, s9, s12, $0xb8;
	[tilespmem:$0x1D800] =	vst v63  }
0x1a7: {  	_ =	swait.ge [sflag:s17], $0x2800  }
0x1a8: {  	[sflag:s17] =	ssyncset.done $0x0  }
0x1a9: {  	[sflag:s17] =	ssyncadd.s32 $0xFFFFD800  }
0x1aa: {  	[spmem:s3] =	stream.indirect.scatter.add.f32 [tilespmem:s14], [sflag:$0x4], $0x80, s19, s12, $0xb8;
	[tilespmem:$0x1D800] =	vst v63  }
0x1ab: {  	_ =	swait.ge [sflag:s10], $0x2800  }
0x1ac: {  	[sflag:s10] =	ssyncset.done $0x0  }
0x1ad: {  	[sflag:s10] =	ssyncadd.s32 $0xFFFFD800  }
0x1ae: {  	[tilespmem:s14], [sflag:$0x2] =	stream.indirect.gather [hbm4b:s2+s12], $0x80, s20, s12, $0xb8;
	[tilespmem:$0x1D800] =	vst v63  }
0x1af: {  	_ =	swait.ge [sflag:s18], $0x2800  }
0x1b0: {  	[sflag:s18] =	ssyncset.done $0x0  }
0x1b1: {  	[sflag:s18] =	ssyncadd.s32 $0xFFFFD800  }
0x1b2: {  	[spmem:s3] =	stream.indirect.scatter.add.f32 [tilespmem:s15], [sflag:$0x4], $0x80, s21, s12, $0xb8;
	[tilespmem:$0x1D800] =	vst v63  }
0x1b3: {  	_ =	swait.ge [sflag:s10], $0x2800  }
0x1b4: {  	[sflag:s10] =	ssyncset.done $0x0  }
0x1b5: {  	[sflag:s10] =	ssyncadd.s32 $0xFFFFD800  }
0x1b6: {  	[tilespmem:s15], [sflag:$0x3] =	stream.indirect.gather [hbm4b:s2+s12], $0x80, s22, s12, $0xb8;
	[tilespmem:$0x1D800] =	vst v63  }
0x1b7: {  	_ =	swait.ge [sflag:s16], $0x2800  }
0x1b8: {  	[sflag:s16] =	ssyncset.done $0x0  }
0x1b9: {  	[sflag:s16] =	ssyncadd.s32 $0xFFFFD800  }
0x1ba: {  	[spmem:s3] =	stream.indirect.scatter.add.f32 [tilespmem:s13], [sflag:$0x4], $0x80, s23, s12, $0xb8;
	[tilespmem:$0x1D800] =	vst v63  }
0x1bb: {  	_ =	swait.ge [sflag:s10], $0x2800  }
0x1bc: {  	[sflag:s10] =	ssyncset.done $0x0  }
0x1bd: {  	[sflag:s10] =	ssyncadd.s32 $0xFFFFD800  }
0x1be: {  	[tilespmem:s13], [sflag:$0x1] =	stream.indirect.gather [hbm4b:s2+s12], $0x80, s24, s12, $0xb8;
	[tilespmem:$0x1D800] =	vst v63  }
0x1bf: {  	_ =	swait.ge [sflag:s17], $0x2800  }
0x1c0: {  	[sflag:s17] =	ssyncset.done $0x0  }
0x1c1: {  	[sflag:s17] =	ssyncadd.s32 $0xFFFFD800  }
0x1c2: {  	[spmem:s3] =	stream.indirect.scatter.add.f32 [tilespmem:s14], [sflag:$0x4], $0x80, s25, s12, $0xb8;
	[tilespmem:$0x1D800] =	vst v63  }
0x1c3: {  	_ =	swait.ge [sflag:s10], $0x2800  }
0x1c4: {  	[sflag:s10] =	ssyncset.done $0x0  }
0x1c5: {  	[sflag:s10] =	ssyncadd.s32 $0xFFFFD800  }
0x1c6: {  	[tilespmem:s14], [sflag:$0x2] =	stream.indirect.gather [hbm4b:s2+s12], $0x80, s26, s12, $0xb8;
	[tilespmem:$0x1D800] =	vst v63  }
0x1c7: {  	_ =	swait.ge [sflag:s18], $0x2800  }
0x1c8: {  	[sflag:s18] =	ssyncset.done $0x0  }
0x1c9: {  	[sflag:s18] =	ssyncadd.s32 $0xFFFFD800  }
0x1ca: {  	[spmem:s3] =	stream.indirect.scatter.add.f32 [tilespmem:s15], [sflag:$0x4], $0x80, s28, s12, $0xb8;
	[tilespmem:$0x1D800] =	vst v63  }
0x1cb: {  	_ =	swait.ge [sflag:s10], $0x2800  }
0x1cc: {  	[sflag:s10] =	ssyncset.done $0x0  }
0x1cd: {  	[sflag:s10] =	ssyncadd.s32 $0xFFFFD800  }
0x1ce: {  	[tilespmem:s15], [sflag:$0x3] =	stream.indirect.gather [hbm4b:s2+s12], $0x80, s29, s12, $0xb8;
	[tilespmem:$0x1D800] =	vst v63  }
0x1cf: {  	_ =	swait.ge [sflag:s16], $0x2800  }
0x1d0: {  	[sflag:s16] =	ssyncset.done $0x0  }
0x1d1: {  	[sflag:s16] =	ssyncadd.s32 $0xFFFFD800  }
0x1d2: {  	[spmem:s3] =	stream.indirect.scatter.add.f32 [tilespmem:s13], [sflag:$0x4], $0x80, s30, s12, $0xb8;
	[tilespmem:$0x1D800] =	vst v63  }
0x1d3: {  	_ =	swait.ge [sflag:s10], $0x2800  }
0x1d4: {  	[sflag:s10] =	ssyncset.done $0x0  }
0x1d5: {  	[sflag:s10] =	ssyncadd.s32 $0xFFFFD800  }
0x1d6: {  	[tilespmem:s13], [sflag:$0x1] =	stream.indirect.gather [hbm4b:s2+s12], $0x80, s31, s12, $0xb8;
	[tilespmem:$0x1D800] =	vst v63  }
0x1d7: {  	_ =	swait.ge [sflag:s17], $0x2800  }
0x1d8: {  	[sflag:s17] =	ssyncset.done $0x0  }
0x1d9: {  	[sflag:s17] =	ssyncadd.s32 $0xFFFFD800  }
0x1da: {  	[spmem:s3] =	stream.indirect.scatter.add.f32 [tilespmem:s14], [sflag:$0x4], $0x80, s1, s12, $0xb8;
	[tilespmem:$0x1D800] =	vst v63  }
0x1db: {  	_ =	swait.ge [sflag:s10], $0x2800  }
0x1dc: {  	[sflag:s10] =	ssyncset.done $0x0  }
0x1dd: {  	[sflag:s10] =	ssyncadd.s32 $0xFFFFD800  }
0x1de: {  	_ =	swait.ge [sflag:s18], $0x2800  }
0x1df: {  	[sflag:s18] =	ssyncset.done $0x0  }
0x1e0: {  	[sflag:s18] =	ssyncadd.s32 $0xFFFFD800  }
0x1e1: {  	[spmem:s3] =	stream.indirect.scatter.add.f32 [tilespmem:s15], [sflag:$0x4], $0x80, s0, s12, $0xb8;
	[tilespmem:$0x1D800] =	vst v63  }
0x1e2: {  	_ =	swait.ge [sflag:s10], $0x2800  }
0x1e3: {  	[sflag:s10] =	ssyncset.done $0x0  }
0x1e4: {  	[sflag:s10] =	ssyncadd.s32 $0xFFFFD800  }
0x1e5: {  	p0 =	sne.s32 s6, $0x800;
	_ =	swait.ge [sflag:s16], $0x2800  }
.Ltmp0:
0x1e6: {  	[sflag:s16] =	ssyncset.done $0x0;
	(pc) =	sbr.rel @p0 .LBB2_2-.Ltmp0, $4  }
0x1e7: {  	[sflag:s16] =	ssyncadd.s32 $0xFFFFD800  }
0x1e8: {  	[spmem:s3] =	stream.indirect.scatter.add.f32 [tilespmem:s13], [sflag:$0x4], $0x80, s5, s12, $0xb8;
	[tilespmem:$0x1D800] =	vst v63  }
0x1e9: {  	_ =	swait.ge [sflag:s10], $0x2800  }
0x1ea: {  	s6 =	sadd.s32 $0x200, s6;
	s9 =	rddreg [dreg:$0x5];
	[sflag:s10] =	ssyncset.done $0x0  }
0x1eb: {  	[sflag:s10] =	ssyncadd.s32 $0xFFFFD800;
	s6 =	sadd.s32 s8, s9  }
0x1ec: {  	[tilespmem:s4], [sflag:$0x4] =	stream.linear.gather [hbm4b:s6+s4], $0xC80, $0x38;
	[tilespmem:$0x1D800] =	vst v63  }
0x1ed: {  	_ =	swait.ge [sflag:s10], $0xC80  }
0x1ee: {  	s7 =	rddreg [dreg:$0x4];
	[sflag:s10] =	ssyncset.done $0x0  }
0x1ef: {  	[sflag:s10] =	ssyncadd.s32 $0xFFFFF380;
	s6 =	sadd.s32 s8, s7  }
0x1f0: {  	[tilespmem:s11], [sflag:$0x4] =	stream.linear.gather [hbm4b:s6+s4], $0xC80, $0x38;
	[tilespmem:$0x1D800] =	vst v63  }
0x1f1: {  	_ =	swait.ge [sflag:s10], $0xC80  }
0x1f2: {  	[sflag:s10] =	ssyncset.done $0x0  }
0x1f3: {  	[sflag:s10] =	ssyncadd.s32 $0xFFFFF380  }
0x1f4: {  	[tilespmem:s13], [sflag:$0x1] =	stream.indirect.gather [hbm4b:s2+s12], $0x80, s4, s12, $0xb8;
	[tilespmem:$0x1D800] =	vst v63  }
0x1f5: {  	s9 =	rddreg [dreg:$0x6]  }
0x1f6: {  	[tilespmem:s14], [sflag:$0x2] =	stream.indirect.gather [hbm4b:s2+s12], $0x80, s9, s12, $0xb8;
	[tilespmem:$0x1D800] =	vst v63  }
0x1f7: {  	s7 =	rddreg [dreg:$0x7]  }
0x1f8: {  	[tilespmem:s15], [sflag:$0x3] =	stream.indirect.gather [hbm4b:s2+s12], $0x80, s7, s12, $0xb8;
	[tilespmem:$0x1D800] =	vst v63  }
0x1f9: {  	_ =	swait.ge [sflag:s16], $0x2800  }
0x1fa: {  	[sflag:s16] =	ssyncset.done $0x0  }
0x1fb: {  	[sflag:s16] =	ssyncadd.s32 $0xFFFFD800  }
0x1fc: {  	[spmem:s3] =	stream.indirect.scatter.add.f32 [tilespmem:s13], [sflag:$0x4], $0x80, s11, s12, $0xb8;
	[tilespmem:$0x1D800] =	vst v63  }
0x1fd: {  	_ =	swait.ge [sflag:s10], $0x2800  }
0x1fe: {  	[sflag:s10] =	ssyncset.done $0x0  }
0x1ff: {  	s8 =	rddreg [dreg:$0x8];
	[sflag:s10] =	ssyncadd.s32 $0xFFFFD800  }
0x200: {  	[tilespmem:s13], [sflag:$0x1] =	stream.indirect.gather [hbm4b:s2+s12], $0x80, s8, s12, $0xb8;
	[tilespmem:$0x1D800] =	vst v63  }
0x201: {  	_ =	swait.ge [sflag:s17], $0x2800  }
0x202: {  	[sflag:s17] =	ssyncset.done $0x0  }
0x203: {  	s9 =	rddreg [dreg:$0x9];
	[sflag:s17] =	ssyncadd.s32 $0xFFFFD800  }
0x204: {  	[spmem:s3] =	stream.indirect.scatter.add.f32 [tilespmem:s14], [sflag:$0x4], $0x80, s9, s12, $0xb8;
	[tilespmem:$0x1D800] =	vst v63  }
0x205: {  	_ =	swait.ge [sflag:s10], $0x2800  }
0x206: {  	[sflag:s10] =	ssyncset.done $0x0  }
0x207: {  	s7 =	rddreg [dreg:$0xa];
	[sflag:s10] =	ssyncadd.s32 $0xFFFFD800  }
0x208: {  	[tilespmem:s14], [sflag:$0x2] =	stream.indirect.gather [hbm4b:s2+s12], $0x80, s7, s12, $0xb8;
	[tilespmem:$0x1D800] =	vst v63  }
0x209: {  	_ =	swait.ge [sflag:s18], $0x2800  }
0x20a: {  	[sflag:s18] =	ssyncset.done $0x0  }
0x20b: {  	s8 =	rddreg [dreg:$0xb];
	[sflag:s18] =	ssyncadd.s32 $0xFFFFD800  }
0x20c: {  	[spmem:s3] =	stream.indirect.scatter.add.f32 [tilespmem:s15], [sflag:$0x4], $0x80, s8, s12, $0xb8;
	[tilespmem:$0x1D800] =	vst v63  }
0x20d: {  	_ =	swait.ge [sflag:s10], $0x2800  }
0x20e: {  	[sflag:s10] =	ssyncset.done $0x0  }
0x20f: {  	s9 =	rddreg [dreg:$0xc];
	[sflag:s10] =	ssyncadd.s32 $0xFFFFD800  }
0x210: {  	[tilespmem:s15], [sflag:$0x3] =	stream.indirect.gather [hbm4b:s2+s12], $0x80, s9, s12, $0xb8;
	[tilespmem:$0x1D800] =	vst v63  }
0x211: {  	_ =	swait.ge [sflag:s16], $0x2800  }
0x212: {  	[sflag:s16] =	ssyncset.done $0x0  }
0x213: {  	s7 =	rddreg [dreg:$0xd];
	[sflag:s16] =	ssyncadd.s32 $0xFFFFD800  }
0x214: {  	[spmem:s3] =	stream.indirect.scatter.add.f32 [tilespmem:s13], [sflag:$0x4], $0x80, s7, s12, $0xb8;
	[tilespmem:$0x1D800] =	vst v63  }
0x215: {  	_ =	swait.ge [sflag:s10], $0x2800  }
0x216: {  	[sflag:s10] =	ssyncset.done $0x0  }
0x217: {  	s8 =	rddreg [dreg:$0xe];
	[sflag:s10] =	ssyncadd.s32 $0xFFFFD800  }
0x218: {  	[tilespmem:s13], [sflag:$0x1] =	stream.indirect.gather [hbm4b:s2+s12], $0x80, s8, s12, $0xb8;
	[tilespmem:$0x1D800] =	vst v63  }
0x219: {  	_ =	swait.ge [sflag:s17], $0x2800  }
0x21a: {  	[sflag:s17] =	ssyncset.done $0x0  }
0x21b: {  	s9 =	rddreg [dreg:$0xf];
	[sflag:s17] =	ssyncadd.s32 $0xFFFFD800  }
0x21c: {  	[spmem:s3] =	stream.indirect.scatter.add.f32 [tilespmem:s14], [sflag:$0x4], $0x80, s9, s12, $0xb8;
	[tilespmem:$0x1D800] =	vst v63  }
0x21d: {  	_ =	swait.ge [sflag:s10], $0x2800  }
0x21e: {  	[sflag:s10] =	ssyncset.done $0x0  }
0x21f: {  	s7 =	rddreg [dreg:$0x10];
	[sflag:s10] =	ssyncadd.s32 $0xFFFFD800  }
0x220: {  	[tilespmem:s14], [sflag:$0x2] =	stream.indirect.gather [hbm4b:s2+s12], $0x80, s7, s12, $0xb8;
	[tilespmem:$0x1D800] =	vst v63  }
0x221: {  	_ =	swait.ge [sflag:s18], $0x2800  }
0x222: {  	[sflag:s18] =	ssyncset.done $0x0  }
0x223: {  	s8 =	rddreg [dreg:$0x11];
	[sflag:s18] =	ssyncadd.s32 $0xFFFFD800  }
0x224: {  	[spmem:s3] =	stream.indirect.scatter.add.f32 [tilespmem:s15], [sflag:$0x4], $0x80, s8, s12, $0xb8;
	[tilespmem:$0x1D800] =	vst v63  }
0x225: {  	_ =	swait.ge [sflag:s10], $0x2800  }
0x226: {  	[sflag:s10] =	ssyncset.done $0x0  }
0x227: {  	s9 =	rddreg [dreg:$0x12];
	[sflag:s10] =	ssyncadd.s32 $0xFFFFD800  }
0x228: {  	[tilespmem:s15], [sflag:$0x3] =	stream.indirect.gather [hbm4b:s2+s12], $0x80, s9, s12, $0xb8;
	[tilespmem:$0x1D800] =	vst v63  }
0x229: {  	_ =	swait.ge [sflag:s16], $0x2800  }
0x22a: {  	[sflag:s16] =	ssyncset.done $0x0  }
0x22b: {  	s7 =	rddreg [dreg:$0x13];
	[sflag:s16] =	ssyncadd.s32 $0xFFFFD800  }
0x22c: {  	[spmem:s3] =	stream.indirect.scatter.add.f32 [tilespmem:s13], [sflag:$0x4], $0x80, s7, s12, $0xb8;
	[tilespmem:$0x1D800] =	vst v63  }
0x22d: {  	_ =	swait.ge [sflag:s10], $0x2800  }
0x22e: {  	[sflag:s10] =	ssyncset.done $0x0  }
0x22f: {  	s8 =	rddreg [dreg:$0x14];
	[sflag:s10] =	ssyncadd.s32 $0xFFFFD800  }
0x230: {  	[tilespmem:s13], [sflag:$0x1] =	stream.indirect.gather [hbm4b:s2+s12], $0x80, s8, s12, $0xb8;
	[tilespmem:$0x1D800] =	vst v63  }
0x231: {  	_ =	swait.ge [sflag:s17], $0x2800  }
0x232: {  	[sflag:s17] =	ssyncset.done $0x0  }
0x233: {  	s9 =	rddreg [dreg:$0x15];
	[sflag:s17] =	ssyncadd.s32 $0xFFFFD800  }
0x234: {  	[spmem:s3] =	stream.indirect.scatter.add.f32 [tilespmem:s14], [sflag:$0x4], $0x80, s9, s12, $0xb8;
	[tilespmem:$0x1D800] =	vst v63  }
0x235: {  	_ =	swait.ge [sflag:s10], $0x2800  }
0x236: {  	[sflag:s10] =	ssyncset.done $0x0  }
0x237: {  	s7 =	rddreg [dreg:$0x16];
	[sflag:s10] =	ssyncadd.s32 $0xFFFFD800  }
0x238: {  	[tilespmem:s14], [sflag:$0x2] =	stream.indirect.gather [hbm4b:s2+s12], $0x80, s7, s12, $0xb8;
	[tilespmem:$0x1D800] =	vst v63  }
0x239: {  	_ =	swait.ge [sflag:s18], $0x2800  }
0x23a: {  	[sflag:s18] =	ssyncset.done $0x0  }
0x23b: {  	s8 =	rddreg [dreg:$0x17];
	[sflag:s18] =	ssyncadd.s32 $0xFFFFD800  }
0x23c: {  	[spmem:s3] =	stream.indirect.scatter.add.f32 [tilespmem:s15], [sflag:$0x4], $0x80, s8, s12, $0xb8;
	[tilespmem:$0x1D800] =	vst v63  }
0x23d: {  	_ =	swait.ge [sflag:s10], $0x2800  }
0x23e: {  	[sflag:s10] =	ssyncset.done $0x0  }
0x23f: {  	s9 =	rddreg [dreg:$0x18];
	[sflag:s10] =	ssyncadd.s32 $0xFFFFD800  }
0x240: {  	[tilespmem:s15], [sflag:$0x3] =	stream.indirect.gather [hbm4b:s2+s12], $0x80, s9, s12, $0xb8;
	[tilespmem:$0x1D800] =	vst v63  }
0x241: {  	_ =	swait.ge [sflag:s16], $0x2800  }
0x242: {  	[sflag:s16] =	ssyncset.done $0x0  }
0x243: {  	s7 =	rddreg [dreg:$0x19];
	[sflag:s16] =	ssyncadd.s32 $0xFFFFD800  }
0x244: {  	[spmem:s3] =	stream.indirect.scatter.add.f32 [tilespmem:s13], [sflag:$0x4], $0x80, s7, s12, $0xb8;
	[tilespmem:$0x1D800] =	vst v63  }
0x245: {  	_ =	swait.ge [sflag:s10], $0x2800  }
0x246: {  	[sflag:s10] =	ssyncset.done $0x0  }
0x247: {  	s8 =	rddreg [dreg:$0x1a];
	[sflag:s10] =	ssyncadd.s32 $0xFFFFD800  }
0x248: {  	[tilespmem:s13], [sflag:$0x1] =	stream.indirect.gather [hbm4b:s2+s12], $0x80, s8, s12, $0xb8;
	[tilespmem:$0x1D800] =	vst v63  }
0x249: {  	_ =	swait.ge [sflag:s17], $0x2800  }
0x24a: {  	[sflag:s17] =	ssyncset.done $0x0  }
0x24b: {  	s9 =	rddreg [dreg:$0x1b];
	[sflag:s17] =	ssyncadd.s32 $0xFFFFD800  }
0x24c: {  	[spmem:s3] =	stream.indirect.scatter.add.f32 [tilespmem:s14], [sflag:$0x4], $0x80, s9, s12, $0xb8;
	[tilespmem:$0x1D800] =	vst v63  }
0x24d: {  	_ =	swait.ge [sflag:s10], $0x2800  }
0x24e: {  	[sflag:s10] =	ssyncset.done $0x0  }
0x24f: {  	s7 =	rddreg [dreg:$0x1c];
	[sflag:s10] =	ssyncadd.s32 $0xFFFFD800  }
0x250: {  	[tilespmem:s14], [sflag:$0x2] =	stream.indirect.gather [hbm4b:s2+s12], $0x80, s7, s12, $0xb8;
	[tilespmem:$0x1D800] =	vst v63  }
0x251: {  	_ =	swait.ge [sflag:s18], $0x2800  }
0x252: {  	[sflag:s18] =	ssyncset.done $0x0  }
0x253: {  	s8 =	rddreg [dreg:$0x1d];
	[sflag:s18] =	ssyncadd.s32 $0xFFFFD800  }
0x254: {  	[spmem:s3] =	stream.indirect.scatter.add.f32 [tilespmem:s15], [sflag:$0x4], $0x80, s8, s12, $0xb8;
	[tilespmem:$0x1D800] =	vst v63  }
0x255: {  	_ =	swait.ge [sflag:s10], $0x2800  }
0x256: {  	[sflag:s10] =	ssyncset.done $0x0  }
0x257: {  	s9 =	rddreg [dreg:$0x1e];
	[sflag:s10] =	ssyncadd.s32 $0xFFFFD800  }
0x258: {  	[tilespmem:s15], [sflag:$0x3] =	stream.indirect.gather [hbm4b:s2+s12], $0x80, s9, s12, $0xb8;
	[tilespmem:$0x1D800] =	vst v63  }
0x259: {  	_ =	swait.ge [sflag:s16], $0x2800  }
0x25a: {  	[sflag:s16] =	ssyncset.done $0x0  }
0x25b: {  	s7 =	rddreg [dreg:$0x1f];
	[sflag:s16] =	ssyncadd.s32 $0xFFFFD800  }
0x25c: {  	[spmem:s3] =	stream.indirect.scatter.add.f32 [tilespmem:s13], [sflag:$0x4], $0x80, s7, s12, $0xb8;
	[tilespmem:$0x1D800] =	vst v63  }
0x25d: {  	_ =	swait.ge [sflag:s10], $0x2800  }
0x25e: {  	s8 =	sld [smem:$0x7F5]  }
0x25f: {  	[sflag:s10] =	ssyncset.done $0x0  }
0x260: {  	[sflag:s10] =	ssyncadd.s32 $0xFFFFD800  }
0x261: {  	[tilespmem:s13], [sflag:$0x1] =	stream.indirect.gather [hbm4b:s2+s12], $0x80, s8, s12, $0xb8;
	[tilespmem:$0x1D800] =	vst v63  }
0x262: {  	_ =	swait.ge [sflag:s17], $0x2800  }
0x263: {  	s9 =	sld [smem:$0x7F6]  }
0x264: {  	[sflag:s17] =	ssyncset.done $0x0  }
0x265: {  	[sflag:s17] =	ssyncadd.s32 $0xFFFFD800  }
0x266: {  	[spmem:s3] =	stream.indirect.scatter.add.f32 [tilespmem:s14], [sflag:$0x4], $0x80, s9, s12, $0xb8;
	[tilespmem:$0x1D800] =	vst v63  }
0x267: {  	_ =	swait.ge [sflag:s10], $0x2800  }
0x268: {  	s7 =	sld [smem:$0x7F7]  }
0x269: {  	[sflag:s10] =	ssyncset.done $0x0  }
0x26a: {  	[sflag:s10] =	ssyncadd.s32 $0xFFFFD800  }
0x26b: {  	[tilespmem:s14], [sflag:$0x2] =	stream.indirect.gather [hbm4b:s2+s12], $0x80, s7, s12, $0xb8;
	[tilespmem:$0x1D800] =	vst v63  }
0x26c: {  	_ =	swait.ge [sflag:s18], $0x2800  }
0x26d: {  	s8 =	sld [smem:$0x7F8]  }
0x26e: {  	[sflag:s18] =	ssyncset.done $0x0  }
0x26f: {  	[sflag:s18] =	ssyncadd.s32 $0xFFFFD800  }
0x270: {  	[spmem:s3] =	stream.indirect.scatter.add.f32 [tilespmem:s15], [sflag:$0x4], $0x80, s8, s12, $0xb8;
	[tilespmem:$0x1D800] =	vst v63  }
0x271: {  	_ =	swait.ge [sflag:s10], $0x2800  }
0x272: {  	s9 =	sld [smem:$0x7F9]  }
0x273: {  	[sflag:s10] =	ssyncset.done $0x0  }
0x274: {  	[sflag:s10] =	ssyncadd.s32 $0xFFFFD800  }
0x275: {  	[tilespmem:s15], [sflag:$0x3] =	stream.indirect.gather [hbm4b:s2+s12], $0x80, s9, s12, $0xb8;
	[tilespmem:$0x1D800] =	vst v63  }
0x276: {  	_ =	swait.ge [sflag:s16], $0x2800  }
0x277: {  	s7 =	sld [smem:$0x7FA]  }
0x278: {  	[sflag:s16] =	ssyncset.done $0x0  }
0x279: {  	[sflag:s16] =	ssyncadd.s32 $0xFFFFD800  }
0x27a: {  	[spmem:s3] =	stream.indirect.scatter.add.f32 [tilespmem:s13], [sflag:$0x4], $0x80, s7, s12, $0xb8;
	[tilespmem:$0x1D800] =	vst v63  }
0x27b: {  	_ =	swait.ge [sflag:s10], $0x2800  }
0x27c: {  	s8 =	sld [smem:$0x7FB]  }
0x27d: {  	[sflag:s10] =	ssyncset.done $0x0  }
0x27e: {  	[sflag:s10] =	ssyncadd.s32 $0xFFFFD800  }
0x27f: {  	[tilespmem:s13], [sflag:$0x1] =	stream.indirect.gather [hbm4b:s2+s12], $0x80, s8, s12, $0xb8;
	[tilespmem:$0x1D800] =	vst v63  }
0x280: {  	_ =	swait.ge [sflag:s17], $0x2800  }
0x281: {  	[sflag:s17] =	ssyncset.done $0x0  }
0x282: {  	[sflag:s17] =	ssyncadd.s32 $0xFFFFD800  }
0x283: {  	[spmem:s3] =	stream.indirect.scatter.add.f32 [tilespmem:s14], [sflag:$0x4], $0x80, s19, s12, $0xb8;
	[tilespmem:$0x1D800] =	vst v63  }
0x284: {  	_ =	swait.ge [sflag:s10], $0x2800  }
0x285: {  	[sflag:s10] =	ssyncset.done $0x0  }
0x286: {  	[sflag:s10] =	ssyncadd.s32 $0xFFFFD800  }
0x287: {  	[tilespmem:s14], [sflag:$0x2] =	stream.indirect.gather [hbm4b:s2+s12], $0x80, s20, s12, $0xb8;
	[tilespmem:$0x1D800] =	vst v63  }
0x288: {  	_ =	swait.ge [sflag:s18], $0x2800  }
0x289: {  	[sflag:s18] =	ssyncset.done $0x0  }
0x28a: {  	[sflag:s18] =	ssyncadd.s32 $0xFFFFD800  }
0x28b: {  	[spmem:s3] =	stream.indirect.scatter.add.f32 [tilespmem:s15], [sflag:$0x4], $0x80, s21, s12, $0xb8;
	[tilespmem:$0x1D800] =	vst v63  }
0x28c: {  	_ =	swait.ge [sflag:s10], $0x2800  }
0x28d: {  	[sflag:s10] =	ssyncset.done $0x0  }
0x28e: {  	[sflag:s10] =	ssyncadd.s32 $0xFFFFD800  }
0x28f: {  	[tilespmem:s15], [sflag:$0x3] =	stream.indirect.gather [hbm4b:s2+s12], $0x80, s22, s12, $0xb8;
	[tilespmem:$0x1D800] =	vst v63  }
0x290: {  	_ =	swait.ge [sflag:s16], $0x2800  }
0x291: {  	[sflag:s16] =	ssyncset.done $0x0  }
0x292: {  	[sflag:s16] =	ssyncadd.s32 $0xFFFFD800  }
0x293: {  	[spmem:s3] =	stream.indirect.scatter.add.f32 [tilespmem:s13], [sflag:$0x4], $0x80, s23, s12, $0xb8;
	[tilespmem:$0x1D800] =	vst v63  }
0x294: {  	_ =	swait.ge [sflag:s10], $0x2800  }
0x295: {  	[sflag:s10] =	ssyncset.done $0x0  }
0x296: {  	[sflag:s10] =	ssyncadd.s32 $0xFFFFD800  }
0x297: {  	[tilespmem:s13], [sflag:$0x1] =	stream.indirect.gather [hbm4b:s2+s12], $0x80, s24, s12, $0xb8;
	[tilespmem:$0x1D800] =	vst v63  }
0x298: {  	_ =	swait.ge [sflag:s17], $0x2800  }
0x299: {  	[sflag:s17] =	ssyncset.done $0x0  }
0x29a: {  	[sflag:s17] =	ssyncadd.s32 $0xFFFFD800  }
0x29b: {  	[spmem:s3] =	stream.indirect.scatter.add.f32 [tilespmem:s14], [sflag:$0x4], $0x80, s25, s12, $0xb8;
	[tilespmem:$0x1D800] =	vst v63  }
0x29c: {  	_ =	swait.ge [sflag:s10], $0x2800  }
0x29d: {  	[sflag:s10] =	ssyncset.done $0x0  }
0x29e: {  	[sflag:s10] =	ssyncadd.s32 $0xFFFFD800  }
0x29f: {  	[tilespmem:s14], [sflag:$0x2] =	stream.indirect.gather [hbm4b:s2+s12], $0x80, s26, s12, $0xb8;
	[tilespmem:$0x1D800] =	vst v63  }
0x2a0: {  	_ =	swait.ge [sflag:s18], $0x2800  }
0x2a1: {  	[sflag:s18] =	ssyncset.done $0x0  }
0x2a2: {  	[sflag:s18] =	ssyncadd.s32 $0xFFFFD800  }
0x2a3: {  	[spmem:s3] =	stream.indirect.scatter.add.f32 [tilespmem:s15], [sflag:$0x4], $0x80, s28, s12, $0xb8;
	[tilespmem:$0x1D800] =	vst v63  }
0x2a4: {  	_ =	swait.ge [sflag:s10], $0x2800  }
0x2a5: {  	[sflag:s10] =	ssyncset.done $0x0  }
0x2a6: {  	[sflag:s10] =	ssyncadd.s32 $0xFFFFD800  }
0x2a7: {  	[tilespmem:s15], [sflag:$0x3] =	stream.indirect.gather [hbm4b:s2+s12], $0x80, s29, s12, $0xb8;
	[tilespmem:$0x1D800] =	vst v63  }
0x2a8: {  	_ =	swait.ge [sflag:s16], $0x2800  }
0x2a9: {  	[sflag:s16] =	ssyncset.done $0x0  }
0x2aa: {  	[sflag:s16] =	ssyncadd.s32 $0xFFFFD800  }
0x2ab: {  	[spmem:s3] =	stream.indirect.scatter.add.f32 [tilespmem:s13], [sflag:$0x4], $0x80, s30, s12, $0xb8;
	[tilespmem:$0x1D800] =	vst v63  }
0x2ac: {  	_ =	swait.ge [sflag:s10], $0x2800  }
0x2ad: {  	[sflag:s10] =	ssyncset.done $0x0  }
0x2ae: {  	[sflag:s10] =	ssyncadd.s32 $0xFFFFD800  }
0x2af: {  	[tilespmem:s13], [sflag:$0x1] =	stream.indirect.gather [hbm4b:s2+s12], $0x80, s31, s12, $0xb8;
	[tilespmem:$0x1D800] =	vst v63  }
0x2b0: {  	_ =	swait.ge [sflag:s17], $0x2800  }
0x2b1: {  	[sflag:s17] =	ssyncset.done $0x0  }
0x2b2: {  	[sflag:s17] =	ssyncadd.s32 $0xFFFFD800  }
0x2b3: {  	[spmem:s3] =	stream.indirect.scatter.add.f32 [tilespmem:s14], [sflag:$0x4], $0x80, s1, s12, $0xb8;
	[tilespmem:$0x1D800] =	vst v63  }
0x2b4: {  	_ =	swait.ge [sflag:s10], $0x2800  }
0x2b5: {  	[sflag:s10] =	ssyncset.done $0x0  }
0x2b6: {  	[sflag:s10] =	ssyncadd.s32 $0xFFFFD800  }
0x2b7: {  	_ =	swait.ge [sflag:s18], $0x2800  }
0x2b8: {  	[sflag:s18] =	ssyncset.done $0x0  }
0x2b9: {  	[sflag:s18] =	ssyncadd.s32 $0xFFFFD800  }
0x2ba: {  	[spmem:s3] =	stream.indirect.scatter.add.f32 [tilespmem:s15], [sflag:$0x4], $0x80, s0, s12, $0xb8;
	[tilespmem:$0x1D800] =	vst v63  }
0x2bb: {  	_ =	swait.ge [sflag:s10], $0x2800  }
0x2bc: {  	[sflag:s10] =	ssyncset.done $0x0  }
0x2bd: {  	[sflag:s10] =	ssyncadd.s32 $0xFFFFD800  }
0x2be: {  	_ =	swait.ge [sflag:s16], $0x2800  }
0x2bf: {  	[sflag:s16] =	ssyncset.done $0x0  }
0x2c0: {  	[sflag:s16] =	ssyncadd.s32 $0xFFFFD800  }
0x2c1: {  	[spmem:s3] =	stream.indirect.scatter.add.f32 [tilespmem:s13], [sflag:$0x4], $0x80, s5, s12, $0xb8;
	[tilespmem:$0x1D800] =	vst v63  }
0x2c2: {  	_ =	swait.ge [sflag:s10], $0x2800  }
0x2c3: {  	[sflag:s10] =	ssyncset.done $0x0  }
0x2c4: {  	[sflag:s10] =	ssyncadd.s32 $0xFFFFD800  }
0x2c5: {  	[bflag:$0x0] =	sbarrier.arrive $0xFFFF  }
0x2c6: {  	s7 =	sld [smem:$0x7FC]  }
0x2c7: {  	s9 =	sld [smem:$0x7F3]  }
0x2c8: {  	s8 =	sld [smem:$0x7FD];
	_ =	sdelay $0x2  }
0x2c9: {  	[hbm:s9], [sflag:s7] =	dma.local [spmem:s8], $0x2800  }
0x2ca: {  	_ =	swait.ge [sflag:s10], $0x2800  }
0x2cb: {  	s6 =	sld [smem:$0x7F1];
	_ =	sdelay $0x2  }
0x2cc: {  	s9 =	sadd.s32 $0x1, s6;
	s6 =	sld [smem:$0x7F4];
	_ =	sdelay $0x2  }
0x2cd: {  	p0 =	sne.s32 s9, s6  }
.Ltmp1:
0x2ce: {  	_ = 	snop;
	(pc) =	sbr.rel @p0 .LBB2_1-.Ltmp1, $3  }
0x2cf: {  	_ =	sdelay $0x1  }
0x2d0: {  	[sflag:s10] =	ssyncset.done $0x0  }
0x2d1: {  	[sflag:s10] =	ssyncadd.s32 $0xFFFFD800  }
0x2d2: {  	_ =	sfence.sel $0x180000  }
0x2d3: {  	[bflag:$0x0] =	sbarrier.arrive $0xFFFF  }
0x2d4: {  	_ =	strace $0x90000047  }
0x2d5: {  	s0 =	stileid.u32;
	[bflag:$0x2] =	sbarrier.arrive $0xFFFF  }
0x2d6: {  	p0 =	sne.s32 s0, $0x0;
	s0 =	rddreg [dreg:$0x3]  }
0x2d7: {  	s0 =	sadd.s32 @!p0 $0x100000, s0  }
0x2d8: {  	[sflag:s0] =	ssyncadd.tile.s32 @!p0 $0x1;
	_ =	shalt  }
.Lfunc_end2:
_tile_overlayer_lowered:
.L_overlay_start_2:
0x2d9: {  	(tag) =	ssettag $0x2  }
0x2da: {  	s0 =	rddreg [dreg:$0x0];
	s2 =	stileid.u32  }
0x2db: {  	s1 =	rddreg [dreg:$0x1];
	p0 =	sne.s32 s2, $0x0  }
0x2dc: {  	s3 =	rddreg [dreg:$0x2];
	[bflag:$0x3] =	sbarrier.arrive $0xFFFF;
	s2 =	simm.s32 @!p0 $0x1C04  }
0x2dd: {  	[timem:s3], [sflag:s2] =	dma.local @!p0 [hbm:s0], s1  }
0x2de: {  	s0 =	simm.s32 @!p0 $0x4  }
0x2df: {  	_ =	swait.ge @!p0 [sflag:s0], s1  }
0x2e0: {  	s1 =	ssub.s32 @!p0 $0x0, s1;
	[sflag:s0] =	ssyncset.done @!p0 $0x0  }
0x2e1: {  	[sflag:s0] =	ssyncadd.s32 @!p0 s1  }
0x2e2: {  	[bflag:$0x3] =	sbarrier.arrive $0xFFFF  }
0x2e3: {  	_ =	shalt  }

</sc_bundles>
